<compile_context>
chip_gen: v7x
topology: tpu7x:2x2x1
jax: 0.10.2.dev20260603
libtpu: 0.0.44.dev20260713+nightly
codegen_flags: <defaults>
</compile_context>

<pallas_src>
import functools

import jax
import jax.numpy as jnp
from jax import lax
from jax.experimental import pallas as pl
from jax.experimental.pallas import tpu as pltpu
from jax.experimental.pallas import tpu_sc as plsc

_NC = 2
_NS = 16
_NW = _NC * _NS
_BLK = 128


def _sc_mesh():
    return plsc.VectorSubcoreMesh(core_axis_name="c", subcore_axis_name="s")


_SC_PARAMS = pltpu.CompilerParams(use_tc_tiling_on_sc=False,
                                  needs_layout_passes=False)


def _make_sc_degree(nblk, N2):
    nb = nblk // _NW
    nx = nblk - nb * _NW
    sl = N2 // _NS

    @functools.partial(
        pl.kernel,
        out_type=jax.ShapeDtypeStruct((_NC * N2,), jnp.float32),
        mesh=_sc_mesh(),
        compiler_params=_SC_PARAMS,
        scratch_types=[
            pltpu.VMEM((nb, _BLK), jnp.int32),
            pltpu.VMEM((1, _BLK), jnp.int32),
            pltpu.VMEM((_BLK,), jnp.float32),
            pltpu.VMEM_SHARED((N2,), jnp.float32),
            pltpu.SemaphoreType.DMA,
            pltpu.SemaphoreType.DMA,
        ],
    )
    def k(e3_hbm, zeros_hbm, ones_hbm, out_hbm, ridx, ridx_x, ones_v,
          deg_sh, semA, semB):
        c = lax.axis_index("c")
        s = lax.axis_index("s")
        w = c * _NS + s
        pltpu.sync_copy(zeros_hbm, deg_sh.at[pl.ds(s * sl, sl)])
        pltpu.sync_copy(ones_hbm, ones_v)
        pltpu.sync_copy(e3_hbm.at[0, pl.ds(w * nb, nb)], ridx)

        @pl.when(w < nx)
        def _():
            pltpu.sync_copy(e3_hbm.at[0, pl.ds(_NW * nb + w, 1)], ridx_x)

        plsc.subcore_barrier()

        def pair(p, carry):
            b0 = 2 * p
            cA = pltpu.async_copy(ones_v, deg_sh.at[ridx.at[b0]], semA,
                                  add=True)
            cB = pltpu.async_copy(ones_v, deg_sh.at[ridx.at[b0 + 1]], semB,
                                  add=True)
            cA.wait()
            cB.wait()
            return carry

        lax.fori_loop(0, nb // 2, pair, 0)
        if nb % 2:
            pltpu.async_copy(ones_v, deg_sh.at[ridx.at[nb - 1]], semA,
                             add=True).wait()

        @pl.when(w < nx)
        def _():
            pltpu.async_copy(ones_v, deg_sh.at[ridx_x.at[0]], semA,
                             add=True).wait()

        plsc.subcore_barrier()
        pltpu.sync_copy(deg_sh.at[pl.ds(s * sl, sl)],
                        out_hbm.at[pl.ds(c * N2 + s * sl, sl)])

    return k


def _make_sc_agg64(nblk, N2, H):
    nb = nblk // _NW
    nx = nblk - nb * _NW
    sl = N2 // _NS

    @functools.partial(
        pl.kernel,
        out_type=jax.ShapeDtypeStruct((_NC * N2, H), jnp.bfloat16),
        mesh=_sc_mesh(),
        compiler_params=_SC_PARAMS,
        scratch_types=[
            pltpu.VMEM((nb, _BLK), jnp.int32),
            pltpu.VMEM((nb, _BLK), jnp.int32),
            pltpu.VMEM((1, _BLK), jnp.int32),
            pltpu.VMEM((1, _BLK), jnp.int32),
            pltpu.VMEM((_BLK, H), jnp.bfloat16),
            pltpu.VMEM((_BLK, H), jnp.bfloat16),
            pltpu.VMEM((_BLK, H), jnp.bfloat16),
            pltpu.VMEM_SHARED((N2, H), jnp.bfloat16),
            pltpu.SemaphoreType.DMA,
            pltpu.SemaphoreType.DMA,
            pltpu.SemaphoreType.DMA,
        ],
    )
    def k(e3_hbm, tab_hbm, zeros_hbm, out_hbm,
          ridx, cidx, ridx_x, cidx_x, msgA, msgB, msgC, acc_sh,
          semA, semB, semC):
        c = lax.axis_index("c")
        s = lax.axis_index("s")
        w = c * _NS + s
        pltpu.sync_copy(zeros_hbm, acc_sh.at[pl.ds(s * sl, sl)])
        pltpu.sync_copy(e3_hbm.at[0, pl.ds(w * nb, nb)], ridx)
        pltpu.sync_copy(e3_hbm.at[1, pl.ds(w * nb, nb)], cidx)

        @pl.when(w < nx)
        def _():
            pltpu.sync_copy(e3_hbm.at[0, pl.ds(_NW * nb + w, 1)], ridx_x)
            pltpu.sync_copy(e3_hbm.at[1, pl.ds(_NW * nb + w, 1)], cidx_x)

        plsc.subcore_barrier()

        pltpu.async_copy(tab_hbm.at[cidx.at[0]], msgA, semA)
        pltpu.async_copy(tab_hbm.at[cidx.at[1]], msgB, semB)

        def tri(p, carry):
            b0 = 3 * p
            bufs = ((msgA, semA), (msgB, semB), (msgC, semC))
            for l in range(3):
                buf, sem = bufs[l]
                nxt = bufs[(l + 2) % 3]

                @pl.when(b0 + l + 2 < nb)
                def _(buf2=nxt[0], sem2=nxt[1], b=b0 + l + 2):
                    pltpu.async_copy(tab_hbm.at[cidx.at[b]], buf2, sem2)

                pltpu.make_async_copy(tab_hbm.at[cidx.at[b0 + l]], buf,
                                      sem).wait()
                pltpu.sync_copy(buf, acc_sh.at[ridx.at[b0 + l]], add=True)
            return carry

        lax.fori_loop(0, nb // 3, tri, 0)
        for l in range(nb - (nb // 3) * 3):
            b = (nb // 3) * 3 + l
            buf, sem = ((msgA, semA), (msgB, semB), (msgC, semC))[b % 3]
            pltpu.make_async_copy(tab_hbm.at[cidx.at[b]], buf, sem).wait()
            pltpu.sync_copy(buf, acc_sh.at[ridx.at[b]], add=True)

        @pl.when(w < nx)
        def _():
            pltpu.async_copy(tab_hbm.at[cidx_x.at[0]], msgA, semA).wait()
            pltpu.sync_copy(msgA, acc_sh.at[ridx_x.at[0]], add=True)

        plsc.subcore_barrier()
        pltpu.sync_copy(acc_sh.at[pl.ds(s * sl, sl)],
                        out_hbm.at[pl.ds(c * N2 + s * sl, sl)])

    return k


def _make_sc_agg1(nblk, N2):
    nb = nblk // _NW
    nx = nblk - nb * _NW
    sl = N2 // _NS

    @functools.partial(
        pl.kernel,
        out_type=jax.ShapeDtypeStruct((_NC * N2,), jnp.float32),
        mesh=_sc_mesh(),
        compiler_params=_SC_PARAMS,
        scratch_types=[
            pltpu.VMEM((nb, _BLK), jnp.int32),
            pltpu.VMEM((nb, _BLK), jnp.int32),
            pltpu.VMEM((1, _BLK), jnp.int32),
            pltpu.VMEM((1, _BLK), jnp.int32),
            pltpu.VMEM((N2,), jnp.float32),
            pltpu.VMEM((_BLK,), jnp.float32),
            pltpu.VMEM((_BLK,), jnp.float32),
            pltpu.VMEM_SHARED((N2,), jnp.float32),
            pltpu.SemaphoreType.DMA,
            pltpu.SemaphoreType.DMA,
        ],
    )
    def k(e3_hbm, tab_hbm, zeros_hbm, out_hbm,
          ridx, cidx, ridx_x, cidx_x, tab_v, valsA, valsB, acc_sh,
          semA, semB):
        c = lax.axis_index("c")
        s = lax.axis_index("s")
        w = c * _NS + s
        pltpu.sync_copy(zeros_hbm, acc_sh.at[pl.ds(s * sl, sl)])
        pltpu.sync_copy(tab_hbm, tab_v)
        pltpu.sync_copy(e3_hbm.at[0, pl.ds(w * nb, nb)], ridx)
        pltpu.sync_copy(e3_hbm.at[1, pl.ds(w * nb, nb)], cidx)

        @pl.when(w < nx)
        def _():
            pltpu.sync_copy(e3_hbm.at[0, pl.ds(_NW * nb + w, 1)], ridx_x)
            pltpu.sync_copy(e3_hbm.at[1, pl.ds(_NW * nb + w, 1)], cidx_x)

        plsc.subcore_barrier()

        def fill(idx_ref, b, dst):
            for i in range(_BLK // 16):
                iv = idx_ref[b, pl.ds(16 * i, 16)]
                dst[pl.ds(16 * i, 16)] = plsc.load_gather(tab_v, [iv])

        def pair(p, carry):
            b0 = 2 * p
            fill(cidx, b0, valsA)
            cA = pltpu.async_copy(valsA, acc_sh.at[ridx.at[b0]], semA,
                                  add=True)
            fill(cidx, b0 + 1, valsB)
            cB = pltpu.async_copy(valsB, acc_sh.at[ridx.at[b0 + 1]], semB,
                                  add=True)
            cA.wait()
            cB.wait()
            return carry

        lax.fori_loop(0, nb // 2, pair, 0)
        if nb % 2:
            fill(cidx, nb - 1, valsA)
            pltpu.async_copy(valsA, acc_sh.at[ridx.at[nb - 1]], semA,
                             add=True).wait()

        @pl.when(w < nx)
        def _():
            fill(cidx_x, 0, valsA)
            pltpu.async_copy(valsA, acc_sh.at[ridx_x.at[0]], semA,
                             add=True).wait()

        plsc.subcore_barrier()
        pltpu.sync_copy(acc_sh.at[pl.ds(s * sl, sl)],
                        out_hbm.at[pl.ds(c * N2 + s * sl, sl)])

    return k


def _tc_support(xp, W1, deg_p, N2, D, H, blk):
    g = N2 // blk

    def body(x_ref, w_ref, d0_ref, d1_ref, sup2_ref):
        sup = jnp.dot(x_ref[...], w_ref[...], preferred_element_type=jnp.float32)
        deg = 1.0 + d0_ref[...] + d1_ref[...]
        r = lax.rsqrt(deg)
        sup2_ref[...] = (sup * r[:, None]).astype(jnp.bfloat16)

    return pl.pallas_call(
        body,
        grid=(g,),
        in_specs=[
            pl.BlockSpec((blk, D), lambda i: (i, 0)),
            pl.BlockSpec((D, H), lambda i: (0, 0)),
            pl.BlockSpec((blk,), lambda i: (i,)),
            pl.BlockSpec((blk,), lambda i: (i + g,)),
        ],
        out_specs=pl.BlockSpec((blk, H), lambda i: (i, 0)),
        out_shape=jax.ShapeDtypeStruct((N2, H), jnp.bfloat16),
    )(xp, W1, deg_p, deg_p)


def _tc_mid(acc_p, sup2, deg_p, W2, Wd, N2, H, H2, blk):
    g = N2 // blk

    def body(a0_ref, a1_ref, sup2_ref, d0_ref, d1_ref, w2_ref, wd_ref,
             s2_ref):
        deg = 1.0 + d0_ref[...] + d1_ref[...]
        r = lax.rsqrt(deg)
        pre = (a0_ref[...].astype(jnp.float32) + a1_ref[...].astype(jnp.float32)
               + sup2_ref[...].astype(jnp.float32))
        h1 = jnp.maximum(pre * r[:, None], 0.0)
        v = jnp.sum(w2_ref[...] * wd_ref[...][None, :], axis=1)
        s2_ref[...] = r * jnp.sum(h1 * v[None, :], axis=1)

    return pl.pallas_call(
        body,
        grid=(g,),
        in_specs=[
            pl.BlockSpec((blk, H), lambda i: (i, 0)),
            pl.BlockSpec((blk, H), lambda i: (i + g, 0)),
            pl.BlockSpec((blk, H), lambda i: (i, 0)),
            pl.BlockSpec((blk,), lambda i: (i,)),
            pl.BlockSpec((blk,), lambda i: (i + g,)),
            pl.BlockSpec((H, H2), lambda i: (0, 0)),
            pl.BlockSpec((H2,), lambda i: (0,)),
        ],
        out_specs=pl.BlockSpec((blk,), lambda i: (i,)),
        out_shape=jax.ShapeDtypeStruct((N2,), jnp.float32),
    )(acc_p, acc_p, sup2, deg_p, deg_p, W2, Wd)


def _tc_final(t_p, s2, deg_p, N, N2):
    def body(t0_ref, t1_ref, s2_ref, d0_ref, d1_ref, out_ref):
        deg = 1.0 + d0_ref[...] + d1_ref[...]
        r = lax.rsqrt(deg)
        z = (t0_ref[...] + t1_ref[...] + s2_ref[...]) * r
        out_ref[...] = jax.nn.sigmoid(z)[:N]

    return pl.pallas_call(
        body,
        grid=(1,),
        in_specs=[
            pl.BlockSpec((N2,), lambda i: (0,)),
            pl.BlockSpec((N2,), lambda i: (1,)),
            pl.BlockSpec((N2,), lambda i: (0,)),
            pl.BlockSpec((N2,), lambda i: (0,)),
            pl.BlockSpec((N2,), lambda i: (1,)),
        ],
        out_specs=pl.BlockSpec((N,), lambda i: (0,)),
        out_shape=jax.ShapeDtypeStruct((N,), jnp.float32),
    )(t_p, t_p, s2, deg_p, deg_p)


def kernel(x, edge_index, W1, W2, W3, Wd):
    del W3
    N, D = x.shape
    H = W1.shape[1]
    H2 = W2.shape[1]
    E = edge_index.shape[1]

    N2 = -(-N // 2048) * 2048
    blk = 2048

    assert E % _BLK == 0
    nblk = E // _BLK
    e3 = edge_index.reshape(2, nblk, _BLK)
    xp = jnp.zeros((N2, D), jnp.float32).at[:N].set(x)

    sl = N2 // _NS
    zeros1 = jnp.zeros((sl,), jnp.float32)
    zerosH = jnp.zeros((sl, H), jnp.bfloat16)
    ones = jnp.ones((_BLK,), jnp.float32)

    deg_p = _make_sc_degree(nblk, N2)(e3, zeros1, ones)

    sup2 = _tc_support(xp, W1, deg_p, N2, D, H, blk)

    acc_p = _make_sc_agg64(nblk, N2, H)(e3, sup2, zerosH)

    s2 = _tc_mid(acc_p, sup2, deg_p, W2, Wd, N2, H, H2, blk)

    t_p = _make_sc_agg1(nblk, N2)(e3, s2, zeros1)

    return _tc_final(t_p, s2, deg_p, N, N2)

# --- scband reference (transcript-rebuilt; emitter-appended) ---
"""Pipeline reference for scband-anomaly-detector-18236431138979 (READ-ONLY COPY).

The authoritative reference and input builder live on the scoring server;
editing this copy changes nothing except your own understanding.
"""

import jax, jax.numpy as jnp
import numpy as np

N = 10000
E = 320000
D = 128
H1 = 64
H2 = 32


def setup_inputs(seed: int = 0) -> dict:
    key = jax.random.key(seed)
    k1, k2, k3, k4, k5, k6 = jax.random.split(key, 6)
    x = jax.random.normal(k1, (N, D), dtype=jnp.float32)
    edge_index = jax.random.randint(k2, (2, E), 0, N, dtype=jnp.int32)
    W1 = jax.random.normal(k3, (D, H1), dtype=jnp.float32) * 0.05
    W2 = jax.random.normal(k4, (H1, H2), dtype=jnp.float32) * 0.05
    W3 = jax.random.normal(k5, (H1, H2), dtype=jnp.float32) * 0.05
    Wd = jax.random.normal(k6, (H2,), dtype=jnp.float32) * 0.05
    return {"x": x, "edge_index": edge_index, "W1": W1, "W2": W2, "W3": W3, "Wd": Wd}


def reference(x, edge_index, W1, W2, W3, Wd):
    # GCN-normalized adjacency A_hat = D^{-1/2} (A + I) D^{-1/2}, applied as
    # edge-wise gather/scatter (message passing) plus a self-loop term.
    rows = edge_index[0]
    cols = edge_index[1]
    n = x.shape[0]
    deg = 1.0 + jnp.zeros((n,), dtype=jnp.float32).at[rows].add(1.0)
    w = jax.lax.rsqrt(deg[rows]) * jax.lax.rsqrt(deg[cols])
    inv_deg = 1.0 / deg

    def agg(h):
        msg = w[:, None] * h[cols]
        out = jnp.zeros_like(h).at[rows].add(msg)
        return out + inv_deg[:, None] * h

    # gc1: support = x @ W1; out = A_hat @ support; relu
    h1 = jax.nn.relu(agg(x @ W1))
    # gc2 -> mu, gc3 -> logvar (identity activation)
    mu = agg(h1 @ W2)
    logvar = agg(h1 @ W3)
    # eval-mode reparameterize: z = mu (logvar unused at inference)
    z = mu
    # decoder: linear projection to scalar anomaly score + sigmoid
    scores = jax.nn.sigmoid(z @ Wd)
    return scores

if __name__ == "__main__":
    import jax
    _d = setup_inputs()
    print(jax.jit(kernel)(*tuple(_d.values())))

</pallas_src>

<mosaic_0001>
#map = affine_map<(d0, d1) -> (0, 0, 0)>
#map1 = affine_map<(d0, d1) -> (0)>
module attributes {stable_mosaic.version = 14 : i64} {
  func.func @k(%arg0: i32, %arg1: i32, %arg2: memref<2x2500x128xi32, #tpu.memory_space<hbm>>, %arg3: memref<640xf32, #tpu.memory_space<hbm>>, %arg4: memref<128xf32, #tpu.memory_space<hbm>>, %arg5: memref<20480xf32, #tpu.memory_space<hbm>>, %arg6: memref<78x128xi32, #tpu.memory_space<vmem>>, %arg7: memref<1x128xi32, #tpu.memory_space<vmem>>, %arg8: memref<128xf32, #tpu.memory_space<vmem>>, %arg9: memref<10240xf32, #tpu.memory_space<vmem_shared>>, %arg10: memref<!tpu.dma_semaphore, #tpu.memory_space<semaphore_mem>>, %arg11: memref<!tpu.dma_semaphore, #tpu.memory_space<semaphore_mem>>) attributes {dimension_semantics = [#tpu.dimension_semantics<core_parallel>, #tpu.dimension_semantics<subcore_parallel>], iteration_bounds = array<i64: 2, 16>, scalar_prefetch = 0 : i64, scratch_operands = 6 : i64, tpu.core_type = #tpu.core_type<sc_vector_subcore>, window_params = [{transform_indices = #map}, {transform_indices = #map1}, {transform_indices = #map1}, {transform_indices = #map1}]} {
    %mul3A = arith.constant 16 : i32
    %mul3A_0 = arith.muli %arg0, %mul3A : i32
    %add3A = arith.addi %mul3A_0, %arg1 : i32
    %mul3A_1 = arith.constant 640 : i32
    %mul3A_2 = arith.muli %arg1, %mul3A_1 : i32
    "tpu.region"() ({
      %run_scoped3A_25 = tpu.sem_alloc : memref<!tpu.dma_semaphore, #tpu.memory_space<semaphore_mem>>
      %dma_start3A = tpu.memref_slice %arg9[%mul3A_2] : memref<10240xf32, #tpu.memory_space<vmem_shared>> -> memref<640xf32, #tpu.memory_space<vmem_shared>>
      tpu.enqueue_dma source(%arg3 : memref<640xf32, #tpu.memory_space<hbm>>) target(%dma_start3A : memref<640xf32, #tpu.memory_space<vmem_shared>>) target_semaphore(%run_scoped3A_25 : memref<!tpu.dma_semaphore, #tpu.memory_space<semaphore_mem>>)
      %dma_wait3A = tpu.memref_slice %arg9[%mul3A_2] : memref<10240xf32, #tpu.memory_space<vmem_shared>> -> memref<640xf32, #tpu.memory_space<vmem_shared>>
      tpu.wait_dma2 semaphore(%run_scoped3A_25 : memref<!tpu.dma_semaphore, #tpu.memory_space<semaphore_mem>>) src(%arg3 : memref<640xf32, #tpu.memory_space<hbm>>) dst(%dma_wait3A : memref<640xf32, #tpu.memory_space<vmem_shared>>)
      tpu.yield
    }) : () -> ()
    "tpu.region"() ({
      %run_scoped3A_25 = tpu.sem_alloc : memref<!tpu.dma_semaphore, #tpu.memory_space<semaphore_mem>>
      tpu.enqueue_dma source(%arg4 : memref<128xf32, #tpu.memory_space<hbm>>) target(%arg8 : memref<128xf32, #tpu.memory_space<vmem>>) target_semaphore(%run_scoped3A_25 : memref<!tpu.dma_semaphore, #tpu.memory_space<semaphore_mem>>)
      tpu.wait_dma2 semaphore(%run_scoped3A_25 : memref<!tpu.dma_semaphore, #tpu.memory_space<semaphore_mem>>) src(%arg4 : memref<128xf32, #tpu.memory_space<hbm>>) dst(%arg8 : memref<128xf32, #tpu.memory_space<vmem>>)
      tpu.yield
    }) : () -> ()
    %mul3A_3 = arith.constant 78 : i32
    %mul3A_4 = arith.muli %add3A, %mul3A_3 : i32
    %run_scoped3A = arith.constant 0 : i32
    "tpu.region"() ({
      %run_scoped3A_25 = tpu.sem_alloc : memref<!tpu.dma_semaphore, #tpu.memory_space<semaphore_mem>>
      %dma_start3A = arith.constant 0 : i32
      %dma_start3A_26 = tpu.memref_slice %arg2[%run_scoped3A, %mul3A_4, %dma_start3A] : memref<2x2500x128xi32, #tpu.memory_space<hbm>> -> memref<1x78x128xi32, #tpu.memory_space<hbm>>
      %dma_start3A_27 = tpu.memref_squeeze %dma_start3A_26 : memref<1x78x128xi32, #tpu.memory_space<hbm>> -> memref<78x128xi32, #tpu.memory_space<hbm>>
      %dma_start3A_28 = arith.constant 0 : i32
      %dma_start3A_29 = tpu.memref_slice %arg2[%run_scoped3A, %mul3A_4, %dma_start3A_28] : memref<2x2500x128xi32, #tpu.memory_space<hbm>> -> memref<1x78x128xi32, #tpu.memory_space<hbm>>
      %dma_start3A_30 = tpu.memref_squeeze %dma_start3A_29 : memref<1x78x128xi32, #tpu.memory_space<hbm>> -> memref<78x128xi32, #tpu.memory_space<hbm>>
      tpu.enqueue_dma source(%dma_start3A_30 : memref<78x128xi32, #tpu.memory_space<hbm>>) target(%arg6 : memref<78x128xi32, #tpu.memory_space<vmem>>) target_semaphore(%run_scoped3A_25 : memref<!tpu.dma_semaphore, #tpu.memory_space<semaphore_mem>>)
      %dma_wait3A = arith.constant 0 : i32
      %dma_wait3A_31 = tpu.memref_slice %arg2[%run_scoped3A, %mul3A_4, %dma_wait3A] : memref<2x2500x128xi32, #tpu.memory_space<hbm>> -> memref<1x78x128xi32, #tpu.memory_space<hbm>>
      %dma_wait3A_32 = tpu.memref_squeeze %dma_wait3A_31 : memref<1x78x128xi32, #tpu.memory_space<hbm>> -> memref<78x128xi32, #tpu.memory_space<hbm>>
      %dma_wait3A_33 = arith.constant 0 : i32
      %dma_wait3A_34 = tpu.memref_slice %arg2[%run_scoped3A, %mul3A_4, %dma_wait3A_33] : memref<2x2500x128xi32, #tpu.memory_space<hbm>> -> memref<1x78x128xi32, #tpu.memory_space<hbm>>
      %dma_wait3A_35 = tpu.memref_squeeze %dma_wait3A_34 : memref<1x78x128xi32, #tpu.memory_space<hbm>> -> memref<78x128xi32, #tpu.memory_space<hbm>>
      tpu.wait_dma2 semaphore(%run_scoped3A_25 : memref<!tpu.dma_semaphore, #tpu.memory_space<semaphore_mem>>) src(%dma_wait3A_35 : memref<78x128xi32, #tpu.memory_space<hbm>>) dst(%arg6 : memref<78x128xi32, #tpu.memory_space<vmem>>)
      tpu.yield
    }) : () -> ()
    %lt3A = arith.constant 4 : i32
    %lt3A_5 = arith.cmpi slt, %add3A, %lt3A : i32
    %convert_element_type3A = arith.extui %lt3A_5 : i1 to i32
    %cond3A = arith.constant 0 : i32
    %cond3A_6 = arith.cmpi ne, %convert_element_type3A, %cond3A : i32
    scf.if %cond3A_6 {
      %add3A_25 = arith.constant 2496 : i32
      %add3A_26 = arith.addi %add3A_25, %add3A : i32
      %run_scoped3A_27 = arith.constant 0 : i32
      "tpu.region"() ({
        %run_scoped3A_28 = tpu.sem_alloc : memref<!tpu.dma_semaphore, #tpu.memory_space<semaphore_mem>>
        %dma_start3A = arith.constant 0 : i32
        %dma_start3A_29 = tpu.memref_slice %arg2[%run_scoped3A_27, %add3A_26, %dma_start3A] : memref<2x2500x128xi32, #tpu.memory_space<hbm>> -> memref<1x1x128xi32, #tpu.memory_space<hbm>>
        %dma_start3A_30 = tpu.memref_squeeze %dma_start3A_29 : memref<1x1x128xi32, #tpu.memory_space<hbm>> -> memref<1x128xi32, #tpu.memory_space<hbm>>
        %dma_start3A_31 = arith.constant 0 : i32
        %dma_start3A_32 = tpu.memref_slice %arg2[%run_scoped3A_27, %add3A_26, %dma_start3A_31] : memref<2x2500x128xi32, #tpu.memory_space<hbm>> -> memref<1x1x128xi32, #tpu.memory_space<hbm>>
        %dma_start3A_33 = tpu.memref_squeeze %dma_start3A_32 : memref<1x1x128xi32, #tpu.memory_space<hbm>> -> memref<1x128xi32, #tpu.memory_space<hbm>>
        tpu.enqueue_dma source(%dma_start3A_33 : memref<1x128xi32, #tpu.memory_space<hbm>>) target(%arg7 : memref<1x128xi32, #tpu.memory_space<vmem>>) target_semaphore(%run_scoped3A_28 : memref<!tpu.dma_semaphore, #tpu.memory_space<semaphore_mem>>)
        %dma_wait3A = arith.constant 0 : i32
        %dma_wait3A_34 = tpu.memref_slice %arg2[%run_scoped3A_27, %add3A_26, %dma_wait3A] : memref<2x2500x128xi32, #tpu.memory_space<hbm>> -> memref<1x1x128xi32, #tpu.memory_space<hbm>>
        %dma_wait3A_35 = tpu.memref_squeeze %dma_wait3A_34 : memref<1x1x128xi32, #tpu.memory_space<hbm>> -> memref<1x128xi32, #tpu.memory_space<hbm>>
        %dma_wait3A_36 = arith.constant 0 : i32
        %dma_wait3A_37 = tpu.memref_slice %arg2[%run_scoped3A_27, %add3A_26, %dma_wait3A_36] : memref<2x2500x128xi32, #tpu.memory_space<hbm>> -> memref<1x1x128xi32, #tpu.memory_space<hbm>>
        %dma_wait3A_38 = tpu.memref_squeeze %dma_wait3A_37 : memref<1x1x128xi32, #tpu.memory_space<hbm>> -> memref<1x128xi32, #tpu.memory_space<hbm>>
        tpu.wait_dma2 semaphore(%run_scoped3A_28 : memref<!tpu.dma_semaphore, #tpu.memory_space<semaphore_mem>>) src(%dma_wait3A_38 : memref<1x128xi32, #tpu.memory_space<hbm>>) dst(%arg7 : memref<1x128xi32, #tpu.memory_space<vmem>>)
        tpu.yield
      }) : () -> ()
    } else {
    }
    %barrier3A = arith.constant 0 : index
    tpu.barrier barrier_id(%barrier3A)
    %scan3A = arith.constant 0 : i32
    %scan3A_7 = arith.constant 0 : i32
    %scan3A_8 = arith.constant 39 : i32
    %scan3A_9 = arith.addi %scan3A_7, %scan3A_8 : i32
    %scan3A_10 = arith.constant 1 : i32
    scf.for %scan3A_25 = %scan3A_7 to %scan3A_9 step %scan3A_10  : i32 {
      %mul3A_26 = arith.constant 2 : i32
      %mul3A_27 = arith.muli %mul3A_26, %scan3A_25 : i32
      %dma_start3A = arith.constant 0 : i32
      %dma_start3A_28 = tpu.memref_slice %arg6[%mul3A_27, %dma_start3A] : memref<78x128xi32, #tpu.memory_space<vmem>> -> memref<1x128xi32, #tpu.memory_space<vmem>>
      %dma_start3A_29 = tpu.memref_squeeze %dma_start3A_28 : memref<1x128xi32, #tpu.memory_space<vmem>> -> memref<128xi32, #tpu.memory_space<vmem>>
      %dma_start3A_30 = arith.constant 0 : i32
      %dma_start3A_31 = tpu.memref_slice %arg9[%dma_start3A_30] : memref<10240xf32, #tpu.memory_space<vmem_shared>> -> memref<10240xf32, #tpu.memory_space<vmem_shared>>
      tpu.enqueue_indirect_dma source(%arg8 : memref<128xf32, #tpu.memory_space<vmem>>) target(%dma_start3A_31 : memref<10240xf32, #tpu.memory_space<vmem_shared>>) offsets(%dma_start3A_29 : memref<128xi32, #tpu.memory_space<vmem>>) semaphore(%arg10 : memref<!tpu.dma_semaphore, #tpu.memory_space<semaphore_mem>>) {add = true}
      %add3A_32 = arith.constant 1 : i32
      %add3A_33 = arith.addi %mul3A_27, %add3A_32 : i32
      %dma_start3A_34 = arith.constant 0 : i32
      %dma_start3A_35 = tpu.memref_slice %arg6[%add3A_33, %dma_start3A_34] : memref<78x128xi32, #tpu.memory_space<vmem>> -> memref<1x128xi32, #tpu.memory_space<vmem>>
      %dma_start3A_36 = tpu.memref_squeeze %dma_start3A_35 : memref<1x128xi32, #tpu.memory_space<vmem>> -> memref<128xi32, #tpu.memory_space<vmem>>
      %dma_start3A_37 = arith.constant 0 : i32
      %dma_start3A_38 = tpu.memref_slice %arg9[%dma_start3A_37] : memref<10240xf32, #tpu.memory_space<vmem_shared>> -> memref<10240xf32, #tpu.memory_space<vmem_shared>>
      tpu.enqueue_indirect_dma source(%arg8 : memref<128xf32, #tpu.memory_space<vmem>>) target(%dma_start3A_38 : memref<10240xf32, #tpu.memory_space<vmem_shared>>) offsets(%dma_start3A_36 : memref<128xi32, #tpu.memory_space<vmem>>) semaphore(%arg11 : memref<!tpu.dma_semaphore, #tpu.memory_space<semaphore_mem>>) {add = true}
      %dma_wait3A = arith.constant 0 : i32
      %dma_wait3A_39 = tpu.memref_slice %arg6[%mul3A_27, %dma_wait3A] : memref<78x128xi32, #tpu.memory_space<vmem>> -> memref<1x128xi32, #tpu.memory_space<vmem>>
      %dma_wait3A_40 = tpu.memref_squeeze %dma_wait3A_39 : memref<1x128xi32, #tpu.memory_space<vmem>> -> memref<128xi32, #tpu.memory_space<vmem>>
      %dma_wait3A_41 = arith.constant 0 : i32
      %dma_wait3A_42 = tpu.memref_slice %arg9[%dma_wait3A_41] : memref<10240xf32, #tpu.memory_space<vmem_shared>> -> memref<10240xf32, #tpu.memory_space<vmem_shared>>
      tpu.wait_indirect_dma semaphore(%arg10 : memref<!tpu.dma_semaphore, #tpu.memory_space<semaphore_mem>>) src(%arg8 : memref<128xf32, #tpu.memory_space<vmem>>) dst(%dma_wait3A_42 : memref<10240xf32, #tpu.memory_space<vmem_shared>>)
      %dma_wait3A_43 = arith.constant 0 : i32
      %dma_wait3A_44 = tpu.memref_slice %arg6[%add3A_33, %dma_wait3A_43] : memref<78x128xi32, #tpu.memory_space<vmem>> -> memref<1x128xi32, #tpu.memory_space<vmem>>
      %dma_wait3A_45 = tpu.memref_squeeze %dma_wait3A_44 : memref<1x128xi32, #tpu.memory_space<vmem>> -> memref<128xi32, #tpu.memory_space<vmem>>
      %dma_wait3A_46 = arith.constant 0 : i32
      %dma_wait3A_47 = tpu.memref_slice %arg9[%dma_wait3A_46] : memref<10240xf32, #tpu.memory_space<vmem_shared>> -> memref<10240xf32, #tpu.memory_space<vmem_shared>>
      tpu.wait_indirect_dma semaphore(%arg11 : memref<!tpu.dma_semaphore, #tpu.memory_space<semaphore_mem>>) src(%arg8 : memref<128xf32, #tpu.memory_space<vmem>>) dst(%dma_wait3A_47 : memref<10240xf32, #tpu.memory_space<vmem_shared>>)
    }
    %scan3A_11 = arith.constant 39 : i32
    %lt3A_12 = arith.constant 4 : i32
    %lt3A_13 = arith.cmpi slt, %add3A, %lt3A_12 : i32
    %convert_element_type3A_14 = arith.extui %lt3A_13 : i1 to i32
    %cond3A_15 = arith.constant 0 : i32
    %cond3A_16 = arith.cmpi ne, %convert_element_type3A_14, %cond3A_15 : i32
    scf.if %cond3A_16 {
      %dma_start3A = arith.constant 0 : i32
      %dma_start3A_25 = arith.constant 0 : i32
      %dma_start3A_26 = tpu.memref_slice %arg7[%dma_start3A, %dma_start3A_25] : memref<1x128xi32, #tpu.memory_space<vmem>> -> memref<1x128xi32, #tpu.memory_space<vmem>>
      %dma_start3A_27 = tpu.memref_squeeze %dma_start3A_26 : memref<1x128xi32, #tpu.memory_space<vmem>> -> memref<128xi32, #tpu.memory_space<vmem>>
      %dma_start3A_28 = arith.constant 0 : i32
      %dma_start3A_29 = tpu.memref_slice %arg9[%dma_start3A_28] : memref<10240xf32, #tpu.memory_space<vmem_shared>> -> memref<10240xf32, #tpu.memory_space<vmem_shared>>
      tpu.enqueue_indirect_dma source(%arg8 : memref<128xf32, #tpu.memory_space<vmem>>) target(%dma_start3A_29 : memref<10240xf32, #tpu.memory_space<vmem_shared>>) offsets(%dma_start3A_27 : memref<128xi32, #tpu.memory_space<vmem>>) semaphore(%arg10 : memref<!tpu.dma_semaphore, #tpu.memory_space<semaphore_mem>>) {add = true}
      %dma_wait3A = arith.constant 0 : i32
      %dma_wait3A_30 = arith.constant 0 : i32
      %dma_wait3A_31 = tpu.memref_slice %arg7[%dma_wait3A, %dma_wait3A_30] : memref<1x128xi32, #tpu.memory_space<vmem>> -> memref<1x128xi32, #tpu.memory_space<vmem>>
      %dma_wait3A_32 = tpu.memref_squeeze %dma_wait3A_31 : memref<1x128xi32, #tpu.memory_space<vmem>> -> memref<128xi32, #tpu.memory_space<vmem>>
      %dma_wait3A_33 = arith.constant 0 : i32
      %dma_wait3A_34 = tpu.memref_slice %arg9[%dma_wait3A_33] : memref<10240xf32, #tpu.memory_space<vmem_shared>> -> memref<10240xf32, #tpu.memory_space<vmem_shared>>
      tpu.wait_indirect_dma semaphore(%arg10 : memref<!tpu.dma_semaphore, #tpu.memory_space<semaphore_mem>>) src(%arg8 : memref<128xf32, #tpu.memory_space<vmem>>) dst(%dma_wait3A_34 : memref<10240xf32, #tpu.memory_space<vmem_shared>>)
    } else {
    }
    %barrier3A_17 = arith.constant 0 : index
    tpu.barrier barrier_id(%barrier3A_17)
    %mul3A_18 = arith.constant 640 : i32
    %mul3A_19 = arith.muli %arg1, %mul3A_18 : i32
    %mul3A_20 = arith.constant 10240 : i32
    %mul3A_21 = arith.muli %arg0, %mul3A_20 : i32
    %mul3A_22 = arith.constant 640 : i32
    %mul3A_23 = arith.muli %arg1, %mul3A_22 : i32
    %add3A_24 = arith.addi %mul3A_21, %mul3A_23 : i32
    "tpu.region"() ({
      %run_scoped3A_25 = tpu.sem_alloc : memref<!tpu.dma_semaphore, #tpu.memory_space<semaphore_mem>>
      %dma_start3A = tpu.memref_slice %arg5[%add3A_24] : memref<20480xf32, #tpu.memory_space<hbm>> -> memref<640xf32, #tpu.memory_space<hbm>>
      %dma_start3A_26 = tpu.memref_slice %arg9[%mul3A_19] : memref<10240xf32, #tpu.memory_space<vmem_shared>> -> memref<640xf32, #tpu.memory_space<vmem_shared>>
      tpu.enqueue_dma source(%dma_start3A_26 : memref<640xf32, #tpu.memory_space<vmem_shared>>) target(%dma_start3A : memref<640xf32, #tpu.memory_space<hbm>>) target_semaphore(%run_scoped3A_25 : memref<!tpu.dma_semaphore, #tpu.memory_space<semaphore_mem>>)
      %dma_wait3A = tpu.memref_slice %arg5[%add3A_24] : memref<20480xf32, #tpu.memory_space<hbm>> -> memref<640xf32, #tpu.memory_space<hbm>>
      %dma_wait3A_27 = tpu.memref_slice %arg9[%mul3A_19] : memref<10240xf32, #tpu.memory_space<vmem_shared>> -> memref<640xf32, #tpu.memory_space<vmem_shared>>
      tpu.wait_dma2 semaphore(%run_scoped3A_25 : memref<!tpu.dma_semaphore, #tpu.memory_space<semaphore_mem>>) src(%dma_wait3A_27 : memref<640xf32, #tpu.memory_space<vmem_shared>>) dst(%dma_wait3A : memref<640xf32, #tpu.memory_space<hbm>>)
      tpu.yield
    }) : () -> ()
    return
  }
}

#map = affine_map<(d0, d1) -> (0, 0, 0)>
#map1 = affine_map<(d0, d1) -> (0)>
module attributes {stable_mosaic.version = 14 : i64} {
  func.func @k(%arg0: i32, %arg1: i32, %arg2: memref<2x2500x128xi32, #tpu.memory_space<hbm>>, %arg3: memref<10240xf32, #tpu.memory_space<hbm>>, %arg4: memref<640xf32, #tpu.memory_space<hbm>>, %arg5: memref<20480xf32, #tpu.memory_space<hbm>>, %arg6: memref<78x128xi32, #tpu.memory_space<vmem>>, %arg7: memref<78x128xi32, #tpu.memory_space<vmem>>, %arg8: memref<1x128xi32, #tpu.memory_space<vmem>>, %arg9: memref<1x128xi32, #tpu.memory_space<vmem>>, %arg10: memref<10240xf32, #tpu.memory_space<vmem>>, %arg11: memref<128xf32, #tpu.memory_space<vmem>>, %arg12: memref<128xf32, #tpu.memory_space<vmem>>, %arg13: memref<10240xf32, #tpu.memory_space<vmem_shared>>, %arg14: memref<!tpu.dma_semaphore, #tpu.memory_space<semaphore_mem>>, %arg15: memref<!tpu.dma_semaphore, #tpu.memory_space<semaphore_mem>>) attributes {dimension_semantics = [#tpu.dimension_semantics<core_parallel>, #tpu.dimension_semantics<subcore_parallel>], iteration_bounds = array<i64: 2, 16>, scalar_prefetch = 0 : i64, scratch_operands = 10 : i64, tpu.core_type = #tpu.core_type<sc_vector_subcore>, window_params = [{transform_indices = #map}, {transform_indices = #map1}, {transform_indices = #map1}, {transform_indices = #map1}]} {
    %mul3A = arith.constant 16 : i32
    %mul3A_0 = arith.muli %arg0, %mul3A : i32
    %add3A = arith.addi %mul3A_0, %arg1 : i32
    %mul3A_1 = arith.constant 640 : i32
    %mul3A_2 = arith.muli %arg1, %mul3A_1 : i32
    "tpu.region"() ({
      %run_scoped3A_28 = tpu.sem_alloc : memref<!tpu.dma_semaphore, #tpu.memory_space<semaphore_mem>>
      %dma_start3A = tpu.memref_slice %arg13[%mul3A_2] : memref<10240xf32, #tpu.memory_space<vmem_shared>> -> memref<640xf32, #tpu.memory_space<vmem_shared>>
      tpu.enqueue_dma source(%arg4 : memref<640xf32, #tpu.memory_space<hbm>>) target(%dma_start3A : memref<640xf32, #tpu.memory_space<vmem_shared>>) target_semaphore(%run_scoped3A_28 : memref<!tpu.dma_semaphore, #tpu.memory_space<semaphore_mem>>)
      %dma_wait3A = tpu.memref_slice %arg13[%mul3A_2] : memref<10240xf32, #tpu.memory_space<vmem_shared>> -> memref<640xf32, #tpu.memory_space<vmem_shared>>
      tpu.wait_dma2 semaphore(%run_scoped3A_28 : memref<!tpu.dma_semaphore, #tpu.memory_space<semaphore_mem>>) src(%arg4 : memref<640xf32, #tpu.memory_space<hbm>>) dst(%dma_wait3A : memref<640xf32, #tpu.memory_space<vmem_shared>>)
      tpu.yield
    }) : () -> ()
    "tpu.region"() ({
      %run_scoped3A_28 = tpu.sem_alloc : memref<!tpu.dma_semaphore, #tpu.memory_space<semaphore_mem>>
      tpu.enqueue_dma source(%arg3 : memref<10240xf32, #tpu.memory_space<hbm>>) target(%arg10 : memref<10240xf32, #tpu.memory_space<vmem>>) target_semaphore(%run_scoped3A_28 : memref<!tpu.dma_semaphore, #tpu.memory_space<semaphore_mem>>)
      tpu.wait_dma2 semaphore(%run_scoped3A_28 : memref<!tpu.dma_semaphore, #tpu.memory_space<semaphore_mem>>) src(%arg3 : memref<10240xf32, #tpu.memory_space<hbm>>) dst(%arg10 : memref<10240xf32, #tpu.memory_space<vmem>>)
      tpu.yield
    }) : () -> ()
    %mul3A_3 = arith.constant 78 : i32
    %mul3A_4 = arith.muli %add3A, %mul3A_3 : i32
    %run_scoped3A = arith.constant 0 : i32
    "tpu.region"() ({
      %run_scoped3A_28 = tpu.sem_alloc : memref<!tpu.dma_semaphore, #tpu.memory_space<semaphore_mem>>
      %dma_start3A = arith.constant 0 : i32
      %dma_start3A_29 = tpu.memref_slice %arg2[%run_scoped3A, %mul3A_4, %dma_start3A] : memref<2x2500x128xi32, #tpu.memory_space<hbm>> -> memref<1x78x128xi32, #tpu.memory_space<hbm>>
      %dma_start3A_30 = tpu.memref_squeeze %dma_start3A_29 : memref<1x78x128xi32, #tpu.memory_space<hbm>> -> memref<78x128xi32, #tpu.memory_space<hbm>>
      %dma_start3A_31 = arith.constant 0 : i32
      %dma_start3A_32 = tpu.memref_slice %arg2[%run_scoped3A, %mul3A_4, %dma_start3A_31] : memref<2x2500x128xi32, #tpu.memory_space<hbm>> -> memref<1x78x128xi32, #tpu.memory_space<hbm>>
      %dma_start3A_33 = tpu.memref_squeeze %dma_start3A_32 : memref<1x78x128xi32, #tpu.memory_space<hbm>> -> memref<78x128xi32, #tpu.memory_space<hbm>>
      tpu.enqueue_dma source(%dma_start3A_33 : memref<78x128xi32, #tpu.memory_space<hbm>>) target(%arg6 : memref<78x128xi32, #tpu.memory_space<vmem>>) target_semaphore(%run_scoped3A_28 : memref<!tpu.dma_semaphore, #tpu.memory_space<semaphore_mem>>)
      %dma_wait3A = arith.constant 0 : i32
      %dma_wait3A_34 = tpu.memref_slice %arg2[%run_scoped3A, %mul3A_4, %dma_wait3A] : memref<2x2500x128xi32, #tpu.memory_space<hbm>> -> memref<1x78x128xi32, #tpu.memory_space<hbm>>
      %dma_wait3A_35 = tpu.memref_squeeze %dma_wait3A_34 : memref<1x78x128xi32, #tpu.memory_space<hbm>> -> memref<78x128xi32, #tpu.memory_space<hbm>>
      %dma_wait3A_36 = arith.constant 0 : i32
      %dma_wait3A_37 = tpu.memref_slice %arg2[%run_scoped3A, %mul3A_4, %dma_wait3A_36] : memref<2x2500x128xi32, #tpu.memory_space<hbm>> -> memref<1x78x128xi32, #tpu.memory_space<hbm>>
      %dma_wait3A_38 = tpu.memref_squeeze %dma_wait3A_37 : memref<1x78x128xi32, #tpu.memory_space<hbm>> -> memref<78x128xi32, #tpu.memory_space<hbm>>
      tpu.wait_dma2 semaphore(%run_scoped3A_28 : memref<!tpu.dma_semaphore, #tpu.memory_space<semaphore_mem>>) src(%dma_wait3A_38 : memref<78x128xi32, #tpu.memory_space<hbm>>) dst(%arg6 : memref<78x128xi32, #tpu.memory_space<vmem>>)
      tpu.yield
    }) : () -> ()
    %mul3A_5 = arith.constant 78 : i32
    %mul3A_6 = arith.muli %add3A, %mul3A_5 : i32
    %run_scoped3A_7 = arith.constant 1 : i32
    "tpu.region"() ({
      %run_scoped3A_28 = tpu.sem_alloc : memref<!tpu.dma_semaphore, #tpu.memory_space<semaphore_mem>>
      %dma_start3A = arith.constant 0 : i32
      %dma_start3A_29 = tpu.memref_slice %arg2[%run_scoped3A_7, %mul3A_6, %dma_start3A] : memref<2x2500x128xi32, #tpu.memory_space<hbm>> -> memref<1x78x128xi32, #tpu.memory_space<hbm>>
      %dma_start3A_30 = tpu.memref_squeeze %dma_start3A_29 : memref<1x78x128xi32, #tpu.memory_space<hbm>> -> memref<78x128xi32, #tpu.memory_space<hbm>>
      %dma_start3A_31 = arith.constant 0 : i32
      %dma_start3A_32 = tpu.memref_slice %arg2[%run_scoped3A_7, %mul3A_6, %dma_start3A_31] : memref<2x2500x128xi32, #tpu.memory_space<hbm>> -> memref<1x78x128xi32, #tpu.memory_space<hbm>>
      %dma_start3A_33 = tpu.memref_squeeze %dma_start3A_32 : memref<1x78x128xi32, #tpu.memory_space<hbm>> -> memref<78x128xi32, #tpu.memory_space<hbm>>
      tpu.enqueue_dma source(%dma_start3A_33 : memref<78x128xi32, #tpu.memory_space<hbm>>) target(%arg7 : memref<78x128xi32, #tpu.memory_space<vmem>>) target_semaphore(%run_scoped3A_28 : memref<!tpu.dma_semaphore, #tpu.memory_space<semaphore_mem>>)
      %dma_wait3A = arith.constant 0 : i32
      %dma_wait3A_34 = tpu.memref_slice %arg2[%run_scoped3A_7, %mul3A_6, %dma_wait3A] : memref<2x2500x128xi32, #tpu.memory_space<hbm>> -> memref<1x78x128xi32, #tpu.memory_space<hbm>>
      %dma_wait3A_35 = tpu.memref_squeeze %dma_wait3A_34 : memref<1x78x128xi32, #tpu.memory_space<hbm>> -> memref<78x128xi32, #tpu.memory_space<hbm>>
      %dma_wait3A_36 = arith.constant 0 : i32
      %dma_wait3A_37 = tpu.memref_slice %arg2[%run_scoped3A_7, %mul3A_6, %dma_wait3A_36] : memref<2x2500x128xi32, #tpu.memory_space<hbm>> -> memref<1x78x128xi32, #tpu.memory_space<hbm>>
      %dma_wait3A_38 = tpu.memref_squeeze %dma_wait3A_37 : memref<1x78x128xi32, #tpu.memory_space<hbm>> -> memref<78x128xi32, #tpu.memory_space<hbm>>
      tpu.wait_dma2 semaphore(%run_scoped3A_28 : memref<!tpu.dma_semaphore, #tpu.memory_space<semaphore_mem>>) src(%dma_wait3A_38 : memref<78x128xi32, #tpu.memory_space<hbm>>) dst(%arg7 : memref<78x128xi32, #tpu.memory_space<vmem>>)
      tpu.yield
    }) : () -> ()
    %lt3A = arith.constant 4 : i32
    %lt3A_8 = arith.cmpi slt, %add3A, %lt3A : i32
    %convert_element_type3A = arith.extui %lt3A_8 : i1 to i32
    %cond3A = arith.constant 0 : i32
    %cond3A_9 = arith.cmpi ne, %convert_element_type3A, %cond3A : i32
    scf.if %cond3A_9 {
      %add3A_28 = arith.constant 2496 : i32
      %add3A_29 = arith.addi %add3A_28, %add3A : i32
      %run_scoped3A_30 = arith.constant 0 : i32
      "tpu.region"() ({
        %run_scoped3A_34 = tpu.sem_alloc : memref<!tpu.dma_semaphore, #tpu.memory_space<semaphore_mem>>
        %dma_start3A = arith.constant 0 : i32
        %dma_start3A_35 = tpu.memref_slice %arg2[%run_scoped3A_30, %add3A_29, %dma_start3A] : memref<2x2500x128xi32, #tpu.memory_space<hbm>> -> memref<1x1x128xi32, #tpu.memory_space<hbm>>
        %dma_start3A_36 = tpu.memref_squeeze %dma_start3A_35 : memref<1x1x128xi32, #tpu.memory_space<hbm>> -> memref<1x128xi32, #tpu.memory_space<hbm>>
        %dma_start3A_37 = arith.constant 0 : i32
        %dma_start3A_38 = tpu.memref_slice %arg2[%run_scoped3A_30, %add3A_29, %dma_start3A_37] : memref<2x2500x128xi32, #tpu.memory_space<hbm>> -> memref<1x1x128xi32, #tpu.memory_space<hbm>>
        %dma_start3A_39 = tpu.memref_squeeze %dma_start3A_38 : memref<1x1x128xi32, #tpu.memory_space<hbm>> -> memref<1x128xi32, #tpu.memory_space<hbm>>
        tpu.enqueue_dma source(%dma_start3A_39 : memref<1x128xi32, #tpu.memory_space<hbm>>) target(%arg8 : memref<1x128xi32, #tpu.memory_space<vmem>>) target_semaphore(%run_scoped3A_34 : memref<!tpu.dma_semaphore, #tpu.memory_space<semaphore_mem>>)
        %dma_wait3A = arith.constant 0 : i32
        %dma_wait3A_40 = tpu.memref_slice %arg2[%run_scoped3A_30, %add3A_29, %dma_wait3A] : memref<2x2500x128xi32, #tpu.memory_space<hbm>> -> memref<1x1x128xi32, #tpu.memory_space<hbm>>
        %dma_wait3A_41 = tpu.memref_squeeze %dma_wait3A_40 : memref<1x1x128xi32, #tpu.memory_space<hbm>> -> memref<1x128xi32, #tpu.memory_space<hbm>>
        %dma_wait3A_42 = arith.constant 0 : i32
        %dma_wait3A_43 = tpu.memref_slice %arg2[%run_scoped3A_30, %add3A_29, %dma_wait3A_42] : memref<2x2500x128xi32, #tpu.memory_space<hbm>> -> memref<1x1x128xi32, #tpu.memory_space<hbm>>
        %dma_wait3A_44 = tpu.memref_squeeze %dma_wait3A_43 : memref<1x1x128xi32, #tpu.memory_space<hbm>> -> memref<1x128xi32, #tpu.memory_space<hbm>>
        tpu.wait_dma2 semaphore(%run_scoped3A_34 : memref<!tpu.dma_semaphore, #tpu.memory_space<semaphore_mem>>) src(%dma_wait3A_44 : memref<1x128xi32, #tpu.memory_space<hbm>>) dst(%arg8 : memref<1x128xi32, #tpu.memory_space<vmem>>)
        tpu.yield
      }) : () -> ()
      %add3A_31 = arith.constant 2496 : i32
      %add3A_32 = arith.addi %add3A_31, %add3A : i32
      %run_scoped3A_33 = arith.constant 1 : i32
      "tpu.region"() ({
        %run_scoped3A_34 = tpu.sem_alloc : memref<!tpu.dma_semaphore, #tpu.memory_space<semaphore_mem>>
        %dma_start3A = arith.constant 0 : i32
        %dma_start3A_35 = tpu.memref_slice %arg2[%run_scoped3A_33, %add3A_32, %dma_start3A] : memref<2x2500x128xi32, #tpu.memory_space<hbm>> -> memref<1x1x128xi32, #tpu.memory_space<hbm>>
        %dma_start3A_36 = tpu.memref_squeeze %dma_start3A_35 : memref<1x1x128xi32, #tpu.memory_space<hbm>> -> memref<1x128xi32, #tpu.memory_space<hbm>>
        %dma_start3A_37 = arith.constant 0 : i32
        %dma_start3A_38 = tpu.memref_slice %arg2[%run_scoped3A_33, %add3A_32, %dma_start3A_37] : memref<2x2500x128xi32, #tpu.memory_space<hbm>> -> memref<1x1x128xi32, #tpu.memory_space<hbm>>
        %dma_start3A_39 = tpu.memref_squeeze %dma_start3A_38 : memref<1x1x128xi32, #tpu.memory_space<hbm>> -> memref<1x128xi32, #tpu.memory_space<hbm>>
        tpu.enqueue_dma source(%dma_start3A_39 : memref<1x128xi32, #tpu.memory_space<hbm>>) target(%arg9 : memref<1x128xi32, #tpu.memory_space<vmem>>) target_semaphore(%run_scoped3A_34 : memref<!tpu.dma_semaphore, #tpu.memory_space<semaphore_mem>>)
        %dma_wait3A = arith.constant 0 : i32
        %dma_wait3A_40 = tpu.memref_slice %arg2[%run_scoped3A_33, %add3A_32, %dma_wait3A] : memref<2x2500x128xi32, #tpu.memory_space<hbm>> -> memref<1x1x128xi32, #tpu.memory_space<hbm>>
        %dma_wait3A_41 = tpu.memref_squeeze %dma_wait3A_40 : memref<1x1x128xi32, #tpu.memory_space<hbm>> -> memref<1x128xi32, #tpu.memory_space<hbm>>
        %dma_wait3A_42 = arith.constant 0 : i32
        %dma_wait3A_43 = tpu.memref_slice %arg2[%run_scoped3A_33, %add3A_32, %dma_wait3A_42] : memref<2x2500x128xi32, #tpu.memory_space<hbm>> -> memref<1x1x128xi32, #tpu.memory_space<hbm>>
        %dma_wait3A_44 = tpu.memref_squeeze %dma_wait3A_43 : memref<1x1x128xi32, #tpu.memory_space<hbm>> -> memref<1x128xi32, #tpu.memory_space<hbm>>
        tpu.wait_dma2 semaphore(%run_scoped3A_34 : memref<!tpu.dma_semaphore, #tpu.memory_space<semaphore_mem>>) src(%dma_wait3A_44 : memref<1x128xi32, #tpu.memory_space<hbm>>) dst(%arg9 : memref<1x128xi32, #tpu.memory_space<vmem>>)
        tpu.yield
      }) : () -> ()
    } else {
    }
    %barrier3A = arith.constant 0 : index
    tpu.barrier barrier_id(%barrier3A)
    %scan3A = arith.constant 0 : i32
    %scan3A_10 = arith.constant 0 : i32
    %scan3A_11 = arith.constant 39 : i32
    %scan3A_12 = arith.addi %scan3A_10, %scan3A_11 : i32
    %scan3A_13 = arith.constant 1 : i32
    scf.for %scan3A_28 = %scan3A_10 to %scan3A_12 step %scan3A_13  : i32 {
      %mul3A_29 = arith.constant 2 : i32
      %mul3A_30 = arith.muli %mul3A_29, %scan3A_28 : i32
      %get3A = arith.index_cast %mul3A_30 : i32 to index
      %get3A_31 = arith.constant 0 : index
      %get3A_32 = tpu.vector_load %arg7[%get3A, %get3A_31] {strides = array<i32>} : memref<78x128xi32, #tpu.memory_space<vmem>>, vector<16xi32>,
      %gather3A = tpu.vector_load_idx %arg10[%get3A_32] : memref<10240xf32, #tpu.memory_space<vmem>>[vector<16xi32>], vector<16xf32>,
      %swap3A = arith.constant 0 : index
      %swap3A_33 = tpu.vector_load %arg11[%swap3A] {strides = array<i32>} : memref<128xf32, #tpu.memory_space<vmem>>, vector<16xf32>,
      tpu.vector_store %arg11[%swap3A], %gather3A {strides = array<i32>} : memref<128xf32, #tpu.memory_space<vmem>>, vector<16xf32>,
      %get3A_34 = arith.index_cast %mul3A_30 : i32 to index
      %get3A_35 = arith.constant 16 : index
      %get3A_36 = tpu.vector_load %arg7[%get3A_34, %get3A_35] {strides = array<i32>} : memref<78x128xi32, #tpu.memory_space<vmem>>, vector<16xi32>,
      %gather3A_37 = tpu.vector_load_idx %arg10[%get3A_36] : memref<10240xf32, #tpu.memory_space<vmem>>[vector<16xi32>], vector<16xf32>,
      %swap3A_38 = arith.constant 16 : index
      %swap3A_39 = tpu.vector_load %arg11[%swap3A_38] {strides = array<i32>} : memref<128xf32, #tpu.memory_space<vmem>>, vector<16xf32>,
      tpu.vector_store %arg11[%swap3A_38], %gather3A_37 {strides = array<i32>} : memref<128xf32, #tpu.memory_space<vmem>>, vector<16xf32>,
      %get3A_40 = arith.index_cast %mul3A_30 : i32 to index
      %get3A_41 = arith.constant 32 : index
      %get3A_42 = tpu.vector_load %arg7[%get3A_40, %get3A_41] {strides = array<i32>} : memref<78x128xi32, #tpu.memory_space<vmem>>, vector<16xi32>,
      %gather3A_43 = tpu.vector_load_idx %arg10[%get3A_42] : memref<10240xf32, #tpu.memory_space<vmem>>[vector<16xi32>], vector<16xf32>,
      %swap3A_44 = arith.constant 32 : index
      %swap3A_45 = tpu.vector_load %arg11[%swap3A_44] {strides = array<i32>} : memref<128xf32, #tpu.memory_space<vmem>>, vector<16xf32>,
      tpu.vector_store %arg11[%swap3A_44], %gather3A_43 {strides = array<i32>} : memref<128xf32, #tpu.memory_space<vmem>>, vector<16xf32>,
      %get3A_46 = arith.index_cast %mul3A_30 : i32 to index
      %get3A_47 = arith.constant 48 : index
      %get3A_48 = tpu.vector_load %arg7[%get3A_46, %get3A_47] {strides = array<i32>} : memref<78x128xi32, #tpu.memory_space<vmem>>, vector<16xi32>,
      %gather3A_49 = tpu.vector_load_idx %arg10[%get3A_48] : memref<10240xf32, #tpu.memory_space<vmem>>[vector<16xi32>], vector<16xf32>,
      %swap3A_50 = arith.constant 48 : index
      %swap3A_51 = tpu.vector_load %arg11[%swap3A_50] {strides = array<i32>} : memref<128xf32, #tpu.memory_space<vmem>>, vector<16xf32>,
      tpu.vector_store %arg11[%swap3A_50], %gather3A_49 {strides = array<i32>} : memref<128xf32, #tpu.memory_space<vmem>>, vector<16xf32>,
      %get3A_52 = arith.index_cast %mul3A_30 : i32 to index
      %get3A_53 = arith.constant 64 : index
      %get3A_54 = tpu.vector_load %arg7[%get3A_52, %get3A_53] {strides = array<i32>} : memref<78x128xi32, #tpu.memory_space<vmem>>, vector<16xi32>,
      %gather3A_55 = tpu.vector_load_idx %arg10[%get3A_54] : memref<10240xf32, #tpu.memory_space<vmem>>[vector<16xi32>], vector<16xf32>,
      %swap3A_56 = arith.constant 64 : index
      %swap3A_57 = tpu.vector_load %arg11[%swap3A_56] {strides = array<i32>} : memref<128xf32, #tpu.memory_space<vmem>>, vector<16xf32>,
      tpu.vector_store %arg11[%swap3A_56], %gather3A_55 {strides = array<i32>} : memref<128xf32, #tpu.memory_space<vmem>>, vector<16xf32>,
      %get3A_58 = arith.index_cast %mul3A_30 : i32 to index
      %get3A_59 = arith.constant 80 : index
      %get3A_60 = tpu.vector_load %arg7[%get3A_58, %get3A_59] {strides = array<i32>} : memref<78x128xi32, #tpu.memory_space<vmem>>, vector<16xi32>,
      %gather3A_61 = tpu.vector_load_idx %arg10[%get3A_60] : memref<10240xf32, #tpu.memory_space<vmem>>[vector<16xi32>], vector<16xf32>,
      %swap3A_62 = arith.constant 80 : index
      %swap3A_63 = tpu.vector_load %arg11[%swap3A_62] {strides = array<i32>} : memref<128xf32, #tpu.memory_space<vmem>>, vector<16xf32>,
      tpu.vector_store %arg11[%swap3A_62], %gather3A_61 {strides = array<i32>} : memref<128xf32, #tpu.memory_space<vmem>>, vector<16xf32>,
      %get3A_64 = arith.index_cast %mul3A_30 : i32 to index
      %get3A_65 = arith.constant 96 : index
      %get3A_66 = tpu.vector_load %arg7[%get3A_64, %get3A_65] {strides = array<i32>} : memref<78x128xi32, #tpu.memory_space<vmem>>, vector<16xi32>,
      %gather3A_67 = tpu.vector_load_idx %arg10[%get3A_66] : memref<10240xf32, #tpu.memory_space<vmem>>[vector<16xi32>], vector<16xf32>,
      %swap3A_68 = arith.constant 96 : index
      %swap3A_69 = tpu.vector_load %arg11[%swap3A_68] {strides = array<i32>} : memref<128xf32, #tpu.memory_space<vmem>>, vector<16xf32>,
      tpu.vector_store %arg11[%swap3A_68], %gather3A_67 {strides = array<i32>} : memref<128xf32, #tpu.memory_space<vmem>>, vector<16xf32>,
      %get3A_70 = arith.index_cast %mul3A_30 : i32 to index
      %get3A_71 = arith.constant 112 : index
      %get3A_72 = tpu.vector_load %arg7[%get3A_70, %get3A_71] {strides = array<i32>} : memref<78x128xi32, #tpu.memory_space<vmem>>, vector<16xi32>,
      %gather3A_73 = tpu.vector_load_idx %arg10[%get3A_72] : memref<10240xf32, #tpu.memory_space<vmem>>[vector<16xi32>], vector<16xf32>,
      %swap3A_74 = arith.constant 112 : index
      %swap3A_75 = tpu.vector_load %arg11[%swap3A_74] {strides = array<i32>} : memref<128xf32, #tpu.memory_space<vmem>>, vector<16xf32>,
      tpu.vector_store %arg11[%swap3A_74], %gather3A_73 {strides = array<i32>} : memref<128xf32, #tpu.memory_space<vmem>>, vector<16xf32>,
      %dma_start3A = arith.constant 0 : i32
      %dma_start3A_76 = tpu.memref_slice %arg6[%mul3A_30, %dma_start3A] : memref<78x128xi32, #tpu.memory_space<vmem>> -> memref<1x128xi32, #tpu.memory_space<vmem>>
      %dma_start3A_77 = tpu.memref_squeeze %dma_start3A_76 : memref<1x128xi32, #tpu.memory_space<vmem>> -> memref<128xi32, #tpu.memory_space<vmem>>
      %dma_start3A_78 = arith.constant 0 : i32
      %dma_start3A_79 = tpu.memref_slice %arg13[%dma_start3A_78] : memref<10240xf32, #tpu.memory_space<vmem_shared>> -> memref<10240xf32, #tpu.memory_space<vmem_shared>>
      tpu.enqueue_indirect_dma source(%arg11 : memref<128xf32, #tpu.memory_space<vmem>>) target(%dma_start3A_79 : memref<10240xf32, #tpu.memory_space<vmem_shared>>) offsets(%dma_start3A_77 : memref<128xi32, #tpu.memory_space<vmem>>) semaphore(%arg14 : memref<!tpu.dma_semaphore, #tpu.memory_space<semaphore_mem>>) {add = true}
      %add3A_80 = arith.constant 1 : i32
      %add3A_81 = arith.addi %mul3A_30, %add3A_80 : i32
      %get3A_82 = arith.index_cast %add3A_81 : i32 to index
      %get3A_83 = arith.constant 0 : index
      %get3A_84 = tpu.vector_load %arg7[%get3A_82, %get3A_83] {strides = array<i32>} : memref<78x128xi32, #tpu.memory_space<vmem>>, vector<16xi32>,
      %gather3A_85 = tpu.vector_load_idx %arg10[%get3A_84] : memref<10240xf32, #tpu.memory_space<vmem>>[vector<16xi32>], vector<16xf32>,
      %swap3A_86 = arith.constant 0 : index
      %swap3A_87 = tpu.vector_load %arg12[%swap3A_86] {strides = array<i32>} : memref<128xf32, #tpu.memory_space<vmem>>, vector<16xf32>,
      tpu.vector_store %arg12[%swap3A_86], %gather3A_85 {strides = array<i32>} : memref<128xf32, #tpu.memory_space<vmem>>, vector<16xf32>,
      %get3A_88 = arith.index_cast %add3A_81 : i32 to index
      %get3A_89 = arith.constant 16 : index
      %get3A_90 = tpu.vector_load %arg7[%get3A_88, %get3A_89] {strides = array<i32>} : memref<78x128xi32, #tpu.memory_space<vmem>>, vector<16xi32>,
      %gather3A_91 = tpu.vector_load_idx %arg10[%get3A_90] : memref<10240xf32, #tpu.memory_space<vmem>>[vector<16xi32>], vector<16xf32>,
      %swap3A_92 = arith.constant 16 : index
      %swap3A_93 = tpu.vector_load %arg12[%swap3A_92] {strides = array<i32>} : memref<128xf32, #tpu.memory_space<vmem>>, vector<16xf32>,
      tpu.vector_store %arg12[%swap3A_92], %gather3A_91 {strides = array<i32>} : memref<128xf32, #tpu.memory_space<vmem>>, vector<16xf32>,
      %get3A_94 = arith.index_cast %add3A_81 : i32 to index
      %get3A_95 = arith.constant 32 : index
      %get3A_96 = tpu.vector_load %arg7[%get3A_94, %get3A_95] {strides = array<i32>} : memref<78x128xi32, #tpu.memory_space<vmem>>, vector<16xi32>,
      %gather3A_97 = tpu.vector_load_idx %arg10[%get3A_96] : memref<10240xf32, #tpu.memory_space<vmem>>[vector<16xi32>], vector<16xf32>,
      %swap3A_98 = arith.constant 32 : index
      %swap3A_99 = tpu.vector_load %arg12[%swap3A_98] {strides = array<i32>} : memref<128xf32, #tpu.memory_space<vmem>>, vector<16xf32>,
      tpu.vector_store %arg12[%swap3A_98], %gather3A_97 {strides = array<i32>} : memref<128xf32, #tpu.memory_space<vmem>>, vector<16xf32>,
      %get3A_100 = arith.index_cast %add3A_81 : i32 to index
      %get3A_101 = arith.constant 48 : index
      %get3A_102 = tpu.vector_load %arg7[%get3A_100, %get3A_101] {strides = array<i32>} : memref<78x128xi32, #tpu.memory_space<vmem>>, vector<16xi32>,
      %gather3A_103 = tpu.vector_load_idx %arg10[%get3A_102] : memref<10240xf32, #tpu.memory_space<vmem>>[vector<16xi32>], vector<16xf32>,
      %swap3A_104 = arith.constant 48 : index
      %swap3A_105 = tpu.vector_load %arg12[%swap3A_104] {strides = array<i32>} : memref<128xf32, #tpu.memory_space<vmem>>, vector<16xf32>,
      tpu.vector_store %arg12[%swap3A_104], %gather3A_103 {strides = array<i32>} : memref<128xf32, #tpu.memory_space<vmem>>, vector<16xf32>,
      %get3A_106 = arith.index_cast %add3A_81 : i32 to index
      %get3A_107 = arith.constant 64 : index
      %get3A_108 = tpu.vector_load %arg7[%get3A_106, %get3A_107] {strides = array<i32>} : memref<78x128xi32, #tpu.memory_space<vmem>>, vector<16xi32>,
      %gather3A_109 = tpu.vector_load_idx %arg10[%get3A_108] : memref<10240xf32, #tpu.memory_space<vmem>>[vector<16xi32>], vector<16xf32>,
      %swap3A_110 = arith.constant 64 : index
      %swap3A_111 = tpu.vector_load %arg12[%swap3A_110] {strides = array<i32>} : memref<128xf32, #tpu.memory_space<vmem>>, vector<16xf32>,
      tpu.vector_store %arg12[%swap3A_110], %gather3A_109 {strides = array<i32>} : memref<128xf32, #tpu.memory_space<vmem>>, vector<16xf32>,
      %get3A_112 = arith.index_cast %add3A_81 : i32 to index
      %get3A_113 = arith.constant 80 : index
      %get3A_114 = tpu.vector_load %arg7[%get3A_112, %get3A_113] {strides = array<i32>} : memref<78x128xi32, #tpu.memory_space<vmem>>, vector<16xi32>,
      %gather3A_115 = tpu.vector_load_idx %arg10[%get3A_114] : memref<10240xf32, #tpu.memory_space<vmem>>[vector<16xi32>], vector<16xf32>,
      %swap3A_116 = arith.constant 80 : index
      %swap3A_117 = tpu.vector_load %arg12[%swap3A_116] {strides = array<i32>} : memref<128xf32, #tpu.memory_space<vmem>>, vector<16xf32>,
      tpu.vector_store %arg12[%swap3A_116], %gather3A_115 {strides = array<i32>} : memref<128xf32, #tpu.memory_space<vmem>>, vector<16xf32>,
      %get3A_118 = arith.index_cast %add3A_81 : i32 to index
      %get3A_119 = arith.constant 96 : index
      %get3A_120 = tpu.vector_load %arg7[%get3A_118, %get3A_119] {strides = array<i32>} : memref<78x128xi32, #tpu.memory_space<vmem>>, vector<16xi32>,
      %gather3A_121 = tpu.vector_load_idx %arg10[%get3A_120] : memref<10240xf32, #tpu.memory_space<vmem>>[vector<16xi32>], vector<16xf32>,
      %swap3A_122 = arith.constant 96 : index
      %swap3A_123 = tpu.vector_load %arg12[%swap3A_122] {strides = array<i32>} : memref<128xf32, #tpu.memory_space<vmem>>, vector<16xf32>,
      tpu.vector_store %arg12[%swap3A_122], %gather3A_121 {strides = array<i32>} : memref<128xf32, #tpu.memory_space<vmem>>, vector<16xf32>,
      %get3A_124 = arith.index_cast %add3A_81 : i32 to index
      %get3A_125 = arith.constant 112 : index
      %get3A_126 = tpu.vector_load %arg7[%get3A_124, %get3A_125] {strides = array<i32>} : memref<78x128xi32, #tpu.memory_space<vmem>>, vector<16xi32>,
      %gather3A_127 = tpu.vector_load_idx %arg10[%get3A_126] : memref<10240xf32, #tpu.memory_space<vmem>>[vector<16xi32>], vector<16xf32>,
      %swap3A_128 = arith.constant 112 : index
      %swap3A_129 = tpu.vector_load %arg12[%swap3A_128] {strides = array<i32>} : memref<128xf32, #tpu.memory_space<vmem>>, vector<16xf32>,
      tpu.vector_store %arg12[%swap3A_128], %gather3A_127 {strides = array<i32>} : memref<128xf32, #tpu.memory_space<vmem>>, vector<16xf32>,
      %add3A_130 = arith.constant 1 : i32
      %add3A_131 = arith.addi %mul3A_30, %add3A_130 : i32
      %dma_start3A_132 = arith.constant 0 : i32
      %dma_start3A_133 = tpu.memref_slice %arg6[%add3A_131, %dma_start3A_132] : memref<78x128xi32, #tpu.memory_space<vmem>> -> memref<1x128xi32, #tpu.memory_space<vmem>>
      %dma_start3A_134 = tpu.memref_squeeze %dma_start3A_133 : memref<1x128xi32, #tpu.memory_space<vmem>> -> memref<128xi32, #tpu.memory_space<vmem>>
      %dma_start3A_135 = arith.constant 0 : i32
      %dma_start3A_136 = tpu.memref_slice %arg13[%dma_start3A_135] : memref<10240xf32, #tpu.memory_space<vmem_shared>> -> memref<10240xf32, #tpu.memory_space<vmem_shared>>
      tpu.enqueue_indirect_dma source(%arg12 : memref<128xf32, #tpu.memory_space<vmem>>) target(%dma_start3A_136 : memref<10240xf32, #tpu.memory_space<vmem_shared>>) offsets(%dma_start3A_134 : memref<128xi32, #tpu.memory_space<vmem>>) semaphore(%arg15 : memref<!tpu.dma_semaphore, #tpu.memory_space<semaphore_mem>>) {add = true}
      %dma_wait3A = arith.constant 0 : i32
      %dma_wait3A_137 = tpu.memref_slice %arg6[%mul3A_30, %dma_wait3A] : memref<78x128xi32, #tpu.memory_space<vmem>> -> memref<1x128xi32, #tpu.memory_space<vmem>>
      %dma_wait3A_138 = tpu.memref_squeeze %dma_wait3A_137 : memref<1x128xi32, #tpu.memory_space<vmem>> -> memref<128xi32, #tpu.memory_space<vmem>>
      %dma_wait3A_139 = arith.constant 0 : i32
      %dma_wait3A_140 = tpu.memref_slice %arg13[%dma_wait3A_139] : memref<10240xf32, #tpu.memory_space<vmem_shared>> -> memref<10240xf32, #tpu.memory_space<vmem_shared>>
      tpu.wait_indirect_dma semaphore(%arg14 : memref<!tpu.dma_semaphore, #tpu.memory_space<semaphore_mem>>) src(%arg11 : memref<128xf32, #tpu.memory_space<vmem>>) dst(%dma_wait3A_140 : memref<10240xf32, #tpu.memory_space<vmem_shared>>)
      %dma_wait3A_141 = arith.constant 0 : i32
      %dma_wait3A_142 = tpu.memref_slice %arg6[%add3A_131, %dma_wait3A_141] : memref<78x128xi32, #tpu.memory_space<vmem>> -> memref<1x128xi32, #tpu.memory_space<vmem>>
      %dma_wait3A_143 = tpu.memref_squeeze %dma_wait3A_142 : memref<1x128xi32, #tpu.memory_space<vmem>> -> memref<128xi32, #tpu.memory_space<vmem>>
      %dma_wait3A_144 = arith.constant 0 : i32
      %dma_wait3A_145 = tpu.memref_slice %arg13[%dma_wait3A_144] : memref<10240xf32, #tpu.memory_space<vmem_shared>> -> memref<10240xf32, #tpu.memory_space<vmem_shared>>
      tpu.wait_indirect_dma semaphore(%arg15 : memref<!tpu.dma_semaphore, #tpu.memory_space<semaphore_mem>>) src(%arg12 : memref<128xf32, #tpu.memory_space<vmem>>) dst(%dma_wait3A_145 : memref<10240xf32, #tpu.memory_space<vmem_shared>>)
    }
    %scan3A_14 = arith.constant 39 : i32
    %lt3A_15 = arith.constant 4 : i32
    %lt3A_16 = arith.cmpi slt, %add3A, %lt3A_15 : i32
    %convert_element_type3A_17 = arith.extui %lt3A_16 : i1 to i32
    %cond3A_18 = arith.constant 0 : i32
    %cond3A_19 = arith.cmpi ne, %convert_element_type3A_17, %cond3A_18 : i32
    scf.if %cond3A_19 {
      %get3A = arith.constant 0 : i32
      %get3A_28 = arith.index_cast %get3A : i32 to index
      %get3A_29 = arith.constant 0 : index
      %get3A_30 = tpu.vector_load %arg9[%get3A_28, %get3A_29] {strides = array<i32>} : memref<1x128xi32, #tpu.memory_space<vmem>>, vector<16xi32>,
      %gather3A = tpu.vector_load_idx %arg10[%get3A_30] : memref<10240xf32, #tpu.memory_space<vmem>>[vector<16xi32>], vector<16xf32>,
      %swap3A = arith.constant 0 : index
      %swap3A_31 = tpu.vector_load %arg11[%swap3A] {strides = array<i32>} : memref<128xf32, #tpu.memory_space<vmem>>, vector<16xf32>,
      tpu.vector_store %arg11[%swap3A], %gather3A {strides = array<i32>} : memref<128xf32, #tpu.memory_space<vmem>>, vector<16xf32>,
      %get3A_32 = arith.constant 0 : i32
      %get3A_33 = arith.index_cast %get3A_32 : i32 to index
      %get3A_34 = arith.constant 16 : index
      %get3A_35 = tpu.vector_load %arg9[%get3A_33, %get3A_34] {strides = array<i32>} : memref<1x128xi32, #tpu.memory_space<vmem>>, vector<16xi32>,
      %gather3A_36 = tpu.vector_load_idx %arg10[%get3A_35] : memref<10240xf32, #tpu.memory_space<vmem>>[vector<16xi32>], vector<16xf32>,
      %swap3A_37 = arith.constant 16 : index
      %swap3A_38 = tpu.vector_load %arg11[%swap3A_37] {strides = array<i32>} : memref<128xf32, #tpu.memory_space<vmem>>, vector<16xf32>,
      tpu.vector_store %arg11[%swap3A_37], %gather3A_36 {strides = array<i32>} : memref<128xf32, #tpu.memory_space<vmem>>, vector<16xf32>,
      %get3A_39 = arith.constant 0 : i32
      %get3A_40 = arith.index_cast %get3A_39 : i32 to index
      %get3A_41 = arith.constant 32 : index
      %get3A_42 = tpu.vector_load %arg9[%get3A_40, %get3A_41] {strides = array<i32>} : memref<1x128xi32, #tpu.memory_space<vmem>>, vector<16xi32>,
      %gather3A_43 = tpu.vector_load_idx %arg10[%get3A_42] : memref<10240xf32, #tpu.memory_space<vmem>>[vector<16xi32>], vector<16xf32>,
      %swap3A_44 = arith.constant 32 : index
      %swap3A_45 = tpu.vector_load %arg11[%swap3A_44] {strides = array<i32>} : memref<128xf32, #tpu.memory_space<vmem>>, vector<16xf32>,
      tpu.vector_store %arg11[%swap3A_44], %gather3A_43 {strides = array<i32>} : memref<128xf32, #tpu.memory_space<vmem>>, vector<16xf32>,
      %get3A_46 = arith.constant 0 : i32
      %get3A_47 = arith.index_cast %get3A_46 : i32 to index
      %get3A_48 = arith.constant 48 : index
      %get3A_49 = tpu.vector_load %arg9[%get3A_47, %get3A_48] {strides = array<i32>} : memref<1x128xi32, #tpu.memory_space<vmem>>, vector<16xi32>,
      %gather3A_50 = tpu.vector_load_idx %arg10[%get3A_49] : memref<10240xf32, #tpu.memory_space<vmem>>[vector<16xi32>], vector<16xf32>,
      %swap3A_51 = arith.constant 48 : index
      %swap3A_52 = tpu.vector_load %arg11[%swap3A_51] {strides = array<i32>} : memref<128xf32, #tpu.memory_space<vmem>>, vector<16xf32>,
      tpu.vector_store %arg11[%swap3A_51], %gather3A_50 {strides = array<i32>} : memref<128xf32, #tpu.memory_space<vmem>>, vector<16xf32>,
      %get3A_53 = arith.constant 0 : i32
      %get3A_54 = arith.index_cast %get3A_53 : i32 to index
      %get3A_55 = arith.constant 64 : index
      %get3A_56 = tpu.vector_load %arg9[%get3A_54, %get3A_55] {strides = array<i32>} : memref<1x128xi32, #tpu.memory_space<vmem>>, vector<16xi32>,
      %gather3A_57 = tpu.vector_load_idx %arg10[%get3A_56] : memref<10240xf32, #tpu.memory_space<vmem>>[vector<16xi32>], vector<16xf32>,
      %swap3A_58 = arith.constant 64 : index
      %swap3A_59 = tpu.vector_load %arg11[%swap3A_58] {strides = array<i32>} : memref<128xf32, #tpu.memory_space<vmem>>, vector<16xf32>,
      tpu.vector_store %arg11[%swap3A_58], %gather3A_57 {strides = array<i32>} : memref<128xf32, #tpu.memory_space<vmem>>, vector<16xf32>,
      %get3A_60 = arith.constant 0 : i32
      %get3A_61 = arith.index_cast %get3A_60 : i32 to index
      %get3A_62 = arith.constant 80 : index
      %get3A_63 = tpu.vector_load %arg9[%get3A_61, %get3A_62] {strides = array<i32>} : memref<1x128xi32, #tpu.memory_space<vmem>>, vector<16xi32>,
      %gather3A_64 = tpu.vector_load_idx %arg10[%get3A_63] : memref<10240xf32, #tpu.memory_space<vmem>>[vector<16xi32>], vector<16xf32>,
      %swap3A_65 = arith.constant 80 : index
      %swap3A_66 = tpu.vector_load %arg11[%swap3A_65] {strides = array<i32>} : memref<128xf32, #tpu.memory_space<vmem>>, vector<16xf32>,
      tpu.vector_store %arg11[%swap3A_65], %gather3A_64 {strides = array<i32>} : memref<128xf32, #tpu.memory_space<vmem>>, vector<16xf32>,
      %get3A_67 = arith.constant 0 : i32
      %get3A_68 = arith.index_cast %get3A_67 : i32 to index
      %get3A_69 = arith.constant 96 : index
      %get3A_70 = tpu.vector_load %arg9[%get3A_68, %get3A_69] {strides = array<i32>} : memref<1x128xi32, #tpu.memory_space<vmem>>, vector<16xi32>,
      %gather3A_71 = tpu.vector_load_idx %arg10[%get3A_70] : memref<10240xf32, #tpu.memory_space<vmem>>[vector<16xi32>], vector<16xf32>,
      %swap3A_72 = arith.constant 96 : index
      %swap3A_73 = tpu.vector_load %arg11[%swap3A_72] {strides = array<i32>} : memref<128xf32, #tpu.memory_space<vmem>>, vector<16xf32>,
      tpu.vector_store %arg11[%swap3A_72], %gather3A_71 {strides = array<i32>} : memref<128xf32, #tpu.memory_space<vmem>>, vector<16xf32>,
      %get3A_74 = arith.constant 0 : i32
      %get3A_75 = arith.index_cast %get3A_74 : i32 to index
      %get3A_76 = arith.constant 112 : index
      %get3A_77 = tpu.vector_load %arg9[%get3A_75, %get3A_76] {strides = array<i32>} : memref<1x128xi32, #tpu.memory_space<vmem>>, vector<16xi32>,
      %gather3A_78 = tpu.vector_load_idx %arg10[%get3A_77] : memref<10240xf32, #tpu.memory_space<vmem>>[vector<16xi32>], vector<16xf32>,
      %swap3A_79 = arith.constant 112 : index
      %swap3A_80 = tpu.vector_load %arg11[%swap3A_79] {strides = array<i32>} : memref<128xf32, #tpu.memory_space<vmem>>, vector<16xf32>,
      tpu.vector_store %arg11[%swap3A_79], %gather3A_78 {strides = array<i32>} : memref<128xf32, #tpu.memory_space<vmem>>, vector<16xf32>,
      %dma_start3A = arith.constant 0 : i32
      %dma_start3A_81 = arith.constant 0 : i32
      %dma_start3A_82 = tpu.memref_slice %arg8[%dma_start3A, %dma_start3A_81] : memref<1x128xi32, #tpu.memory_space<vmem>> -> memref<1x128xi32, #tpu.memory_space<vmem>>
      %dma_start3A_83 = tpu.memref_squeeze %dma_start3A_82 : memref<1x128xi32, #tpu.memory_space<vmem>> -> memref<128xi32, #tpu.memory_space<vmem>>
      %dma_start3A_84 = arith.constant 0 : i32
      %dma_start3A_85 = tpu.memref_slice %arg13[%dma_start3A_84] : memref<10240xf32, #tpu.memory_space<vmem_shared>> -> memref<10240xf32, #tpu.memory_space<vmem_shared>>
      tpu.enqueue_indirect_dma source(%arg11 : memref<128xf32, #tpu.memory_space<vmem>>) target(%dma_start3A_85 : memref<10240xf32, #tpu.memory_space<vmem_shared>>) offsets(%dma_start3A_83 : memref<128xi32, #tpu.memory_space<vmem>>) semaphore(%arg14 : memref<!tpu.dma_semaphore, #tpu.memory_space<semaphore_mem>>) {add = true}
      %dma_wait3A = arith.constant 0 : i32
      %dma_wait3A_86 = arith.constant 0 : i32
      %dma_wait3A_87 = tpu.memref_slice %arg8[%dma_wait3A, %dma_wait3A_86] : memref<1x128xi32, #tpu.memory_space<vmem>> -> memref<1x128xi32, #tpu.memory_space<vmem>>
      %dma_wait3A_88 = tpu.memref_squeeze %dma_wait3A_87 : memref<1x128xi32, #tpu.memory_space<vmem>> -> memref<128xi32, #tpu.memory_space<vmem>>
      %dma_wait3A_89 = arith.constant 0 : i32
      %dma_wait3A_90 = tpu.memref_slice %arg13[%dma_wait3A_89] : memref<10240xf32, #tpu.memory_space<vmem_shared>> -> memref<10240xf32, #tpu.memory_space<vmem_shared>>
      tpu.wait_indirect_dma semaphore(%arg14 : memref<!tpu.dma_semaphore, #tpu.memory_space<semaphore_mem>>) src(%arg11 : memref<128xf32, #tpu.memory_space<vmem>>) dst(%dma_wait3A_90 : memref<10240xf32, #tpu.memory_space<vmem_shared>>)
    } else {
    }
    %barrier3A_20 = arith.constant 0 : index
    tpu.barrier barrier_id(%barrier3A_20)
    %mul3A_21 = arith.constant 640 : i32
    %mul3A_22 = arith.muli %arg1, %mul3A_21 : i32
    %mul3A_23 = arith.constant 10240 : i32
    %mul3A_24 = arith.muli %arg0, %mul3A_23 : i32
    %mul3A_25 = arith.constant 640 : i32
    %mul3A_26 = arith.muli %arg1, %mul3A_25 : i32
    %add3A_27 = arith.addi %mul3A_24, %mul3A_26 : i32
    "tpu.region"() ({
      %run_scoped3A_28 = tpu.sem_alloc : memref<!tpu.dma_semaphore, #tpu.memory_space<semaphore_mem>>
      %dma_start3A = tpu.memref_slice %arg5[%add3A_27] : memref<20480xf32, #tpu.memory_space<hbm>> -> memref<640xf32, #tpu.memory_space<hbm>>
      %dma_start3A_29 = tpu.memref_slice %arg13[%mul3A_22] : memref<10240xf32, #tpu.memory_space<vmem_shared>> -> memref<640xf32, #tpu.memory_space<vmem_shared>>
      tpu.enqueue_dma source(%dma_start3A_29 : memref<640xf32, #tpu.memory_space<vmem_shared>>) target(%dma_start3A : memref<640xf32, #tpu.memory_space<hbm>>) target_semaphore(%run_scoped3A_28 : memref<!tpu.dma_semaphore, #tpu.memory_space<semaphore_mem>>)
      %dma_wait3A = tpu.memref_slice %arg5[%add3A_27] : memref<20480xf32, #tpu.memory_space<hbm>> -> memref<640xf32, #tpu.memory_space<hbm>>
      %dma_wait3A_30 = tpu.memref_slice %arg13[%mul3A_22] : memref<10240xf32, #tpu.memory_space<vmem_shared>> -> memref<640xf32, #tpu.memory_space<vmem_shared>>
      tpu.wait_dma2 semaphore(%run_scoped3A_28 : memref<!tpu.dma_semaphore, #tpu.memory_space<semaphore_mem>>) src(%dma_wait3A_30 : memref<640xf32, #tpu.memory_space<vmem_shared>>) dst(%dma_wait3A : memref<640xf32, #tpu.memory_space<hbm>>)
      tpu.yield
    }) : () -> ()
    return
  }
}

#map = affine_map<(d0, d1) -> (0, 0, 0)>
#map1 = affine_map<(d0, d1) -> (0, 0)>
module attributes {stable_mosaic.version = 14 : i64} {
  func.func @k(%arg0: i32, %arg1: i32, %arg2: memref<2x2500x128xi32, #tpu.memory_space<hbm>>, %arg3: memref<10240x64xbf16, #tpu.memory_space<hbm>>, %arg4: memref<640x64xbf16, #tpu.memory_space<hbm>>, %arg5: memref<20480x64xbf16, #tpu.memory_space<hbm>>, %arg6: memref<78x128xi32, #tpu.memory_space<vmem>>, %arg7: memref<78x128xi32, #tpu.memory_space<vmem>>, %arg8: memref<1x128xi32, #tpu.memory_space<vmem>>, %arg9: memref<1x128xi32, #tpu.memory_space<vmem>>, %arg10: memref<128x64xbf16, #tpu.memory_space<vmem>>, %arg11: memref<128x64xbf16, #tpu.memory_space<vmem>>, %arg12: memref<128x64xbf16, #tpu.memory_space<vmem>>, %arg13: memref<10240x64xbf16, #tpu.memory_space<vmem_shared>>, %arg14: memref<!tpu.dma_semaphore, #tpu.memory_space<semaphore_mem>>, %arg15: memref<!tpu.dma_semaphore, #tpu.memory_space<semaphore_mem>>, %arg16: memref<!tpu.dma_semaphore, #tpu.memory_space<semaphore_mem>>) attributes {dimension_semantics = [#tpu.dimension_semantics<core_parallel>, #tpu.dimension_semantics<subcore_parallel>], iteration_bounds = array<i64: 2, 16>, scalar_prefetch = 0 : i64, scratch_operands = 11 : i64, tpu.core_type = #tpu.core_type<sc_vector_subcore>, window_params = [{transform_indices = #map}, {transform_indices = #map1}, {transform_indices = #map1}, {transform_indices = #map1}]} {
    %mul3A = arith.constant 16 : i32
    %mul3A_0 = arith.muli %arg0, %mul3A : i32
    %add3A = arith.addi %mul3A_0, %arg1 : i32
    %mul3A_1 = arith.constant 640 : i32
    %mul3A_2 = arith.muli %arg1, %mul3A_1 : i32
    "tpu.region"() ({
      %run_scoped3A_41 = tpu.sem_alloc : memref<!tpu.dma_semaphore, #tpu.memory_space<semaphore_mem>>
      %dma_start3A_42 = arith.constant 0 : i32
      %dma_start3A_43 = tpu.memref_slice %arg13[%mul3A_2, %dma_start3A_42] : memref<10240x64xbf16, #tpu.memory_space<vmem_shared>> -> memref<640x64xbf16, #tpu.memory_space<vmem_shared>>
      tpu.enqueue_dma source(%arg4 : memref<640x64xbf16, #tpu.memory_space<hbm>>) target(%dma_start3A_43 : memref<640x64xbf16, #tpu.memory_space<vmem_shared>>) target_semaphore(%run_scoped3A_41 : memref<!tpu.dma_semaphore, #tpu.memory_space<semaphore_mem>>)
      %dma_wait3A = arith.constant 0 : i32
      %dma_wait3A_44 = tpu.memref_slice %arg13[%mul3A_2, %dma_wait3A] : memref<10240x64xbf16, #tpu.memory_space<vmem_shared>> -> memref<640x64xbf16, #tpu.memory_space<vmem_shared>>
      tpu.wait_dma2 semaphore(%run_scoped3A_41 : memref<!tpu.dma_semaphore, #tpu.memory_space<semaphore_mem>>) src(%arg4 : memref<640x64xbf16, #tpu.memory_space<hbm>>) dst(%dma_wait3A_44 : memref<640x64xbf16, #tpu.memory_space<vmem_shared>>)
      tpu.yield
    }) : () -> ()
    %mul3A_3 = arith.constant 78 : i32
    %mul3A_4 = arith.muli %add3A, %mul3A_3 : i32
    %run_scoped3A = arith.constant 0 : i32
    "tpu.region"() ({
      %run_scoped3A_41 = tpu.sem_alloc : memref<!tpu.dma_semaphore, #tpu.memory_space<semaphore_mem>>
      %dma_start3A_42 = arith.constant 0 : i32
      %dma_start3A_43 = tpu.memref_slice %arg2[%run_scoped3A, %mul3A_4, %dma_start3A_42] : memref<2x2500x128xi32, #tpu.memory_space<hbm>> -> memref<1x78x128xi32, #tpu.memory_space<hbm>>
      %dma_start3A_44 = tpu.memref_squeeze %dma_start3A_43 : memref<1x78x128xi32, #tpu.memory_space<hbm>> -> memref<78x128xi32, #tpu.memory_space<hbm>>
      %dma_start3A_45 = arith.constant 0 : i32
      %dma_start3A_46 = tpu.memref_slice %arg2[%run_scoped3A, %mul3A_4, %dma_start3A_45] : memref<2x2500x128xi32, #tpu.memory_space<hbm>> -> memref<1x78x128xi32, #tpu.memory_space<hbm>>
      %dma_start3A_47 = tpu.memref_squeeze %dma_start3A_46 : memref<1x78x128xi32, #tpu.memory_space<hbm>> -> memref<78x128xi32, #tpu.memory_space<hbm>>
      tpu.enqueue_dma source(%dma_start3A_47 : memref<78x128xi32, #tpu.memory_space<hbm>>) target(%arg6 : memref<78x128xi32, #tpu.memory_space<vmem>>) target_semaphore(%run_scoped3A_41 : memref<!tpu.dma_semaphore, #tpu.memory_space<semaphore_mem>>)
      %dma_wait3A = arith.constant 0 : i32
      %dma_wait3A_48 = tpu.memref_slice %arg2[%run_scoped3A, %mul3A_4, %dma_wait3A] : memref<2x2500x128xi32, #tpu.memory_space<hbm>> -> memref<1x78x128xi32, #tpu.memory_space<hbm>>
      %dma_wait3A_49 = tpu.memref_squeeze %dma_wait3A_48 : memref<1x78x128xi32, #tpu.memory_space<hbm>> -> memref<78x128xi32, #tpu.memory_space<hbm>>
      %dma_wait3A_50 = arith.constant 0 : i32
      %dma_wait3A_51 = tpu.memref_slice %arg2[%run_scoped3A, %mul3A_4, %dma_wait3A_50] : memref<2x2500x128xi32, #tpu.memory_space<hbm>> -> memref<1x78x128xi32, #tpu.memory_space<hbm>>
      %dma_wait3A_52 = tpu.memref_squeeze %dma_wait3A_51 : memref<1x78x128xi32, #tpu.memory_space<hbm>> -> memref<78x128xi32, #tpu.memory_space<hbm>>
      tpu.wait_dma2 semaphore(%run_scoped3A_41 : memref<!tpu.dma_semaphore, #tpu.memory_space<semaphore_mem>>) src(%dma_wait3A_52 : memref<78x128xi32, #tpu.memory_space<hbm>>) dst(%arg6 : memref<78x128xi32, #tpu.memory_space<vmem>>)
      tpu.yield
    }) : () -> ()
    %mul3A_5 = arith.constant 78 : i32
    %mul3A_6 = arith.muli %add3A, %mul3A_5 : i32
    %run_scoped3A_7 = arith.constant 1 : i32
    "tpu.region"() ({
      %run_scoped3A_41 = tpu.sem_alloc : memref<!tpu.dma_semaphore, #tpu.memory_space<semaphore_mem>>
      %dma_start3A_42 = arith.constant 0 : i32
      %dma_start3A_43 = tpu.memref_slice %arg2[%run_scoped3A_7, %mul3A_6, %dma_start3A_42] : memref<2x2500x128xi32, #tpu.memory_space<hbm>> -> memref<1x78x128xi32, #tpu.memory_space<hbm>>
      %dma_start3A_44 = tpu.memref_squeeze %dma_start3A_43 : memref<1x78x128xi32, #tpu.memory_space<hbm>> -> memref<78x128xi32, #tpu.memory_space<hbm>>
      %dma_start3A_45 = arith.constant 0 : i32
      %dma_start3A_46 = tpu.memref_slice %arg2[%run_scoped3A_7, %mul3A_6, %dma_start3A_45] : memref<2x2500x128xi32, #tpu.memory_space<hbm>> -> memref<1x78x128xi32, #tpu.memory_space<hbm>>
      %dma_start3A_47 = tpu.memref_squeeze %dma_start3A_46 : memref<1x78x128xi32, #tpu.memory_space<hbm>> -> memref<78x128xi32, #tpu.memory_space<hbm>>
      tpu.enqueue_dma source(%dma_start3A_47 : memref<78x128xi32, #tpu.memory_space<hbm>>) target(%arg7 : memref<78x128xi32, #tpu.memory_space<vmem>>) target_semaphore(%run_scoped3A_41 : memref<!tpu.dma_semaphore, #tpu.memory_space<semaphore_mem>>)
      %dma_wait3A = arith.constant 0 : i32
      %dma_wait3A_48 = tpu.memref_slice %arg2[%run_scoped3A_7, %mul3A_6, %dma_wait3A] : memref<2x2500x128xi32, #tpu.memory_space<hbm>> -> memref<1x78x128xi32, #tpu.memory_space<hbm>>
      %dma_wait3A_49 = tpu.memref_squeeze %dma_wait3A_48 : memref<1x78x128xi32, #tpu.memory_space<hbm>> -> memref<78x128xi32, #tpu.memory_space<hbm>>
      %dma_wait3A_50 = arith.constant 0 : i32
      %dma_wait3A_51 = tpu.memref_slice %arg2[%run_scoped3A_7, %mul3A_6, %dma_wait3A_50] : memref<2x2500x128xi32, #tpu.memory_space<hbm>> -> memref<1x78x128xi32, #tpu.memory_space<hbm>>
      %dma_wait3A_52 = tpu.memref_squeeze %dma_wait3A_51 : memref<1x78x128xi32, #tpu.memory_space<hbm>> -> memref<78x128xi32, #tpu.memory_space<hbm>>
      tpu.wait_dma2 semaphore(%run_scoped3A_41 : memref<!tpu.dma_semaphore, #tpu.memory_space<semaphore_mem>>) src(%dma_wait3A_52 : memref<78x128xi32, #tpu.memory_space<hbm>>) dst(%arg7 : memref<78x128xi32, #tpu.memory_space<vmem>>)
      tpu.yield
    }) : () -> ()
    %lt3A = arith.constant 4 : i32
    %lt3A_8 = arith.cmpi slt, %add3A, %lt3A : i32
    %convert_element_type3A = arith.extui %lt3A_8 : i1 to i32
    %cond3A = arith.constant 0 : i32
    %cond3A_9 = arith.cmpi ne, %convert_element_type3A, %cond3A : i32
    scf.if %cond3A_9 {
      %add3A_41 = arith.constant 2496 : i32
      %add3A_42 = arith.addi %add3A_41, %add3A : i32
      %run_scoped3A_43 = arith.constant 0 : i32
      "tpu.region"() ({
        %run_scoped3A_47 = tpu.sem_alloc : memref<!tpu.dma_semaphore, #tpu.memory_space<semaphore_mem>>
        %dma_start3A_48 = arith.constant 0 : i32
        %dma_start3A_49 = tpu.memref_slice %arg2[%run_scoped3A_43, %add3A_42, %dma_start3A_48] : memref<2x2500x128xi32, #tpu.memory_space<hbm>> -> memref<1x1x128xi32, #tpu.memory_space<hbm>>
        %dma_start3A_50 = tpu.memref_squeeze %dma_start3A_49 : memref<1x1x128xi32, #tpu.memory_space<hbm>> -> memref<1x128xi32, #tpu.memory_space<hbm>>
        %dma_start3A_51 = arith.constant 0 : i32
        %dma_start3A_52 = tpu.memref_slice %arg2[%run_scoped3A_43, %add3A_42, %dma_start3A_51] : memref<2x2500x128xi32, #tpu.memory_space<hbm>> -> memref<1x1x128xi32, #tpu.memory_space<hbm>>
        %dma_start3A_53 = tpu.memref_squeeze %dma_start3A_52 : memref<1x1x128xi32, #tpu.memory_space<hbm>> -> memref<1x128xi32, #tpu.memory_space<hbm>>
        tpu.enqueue_dma source(%dma_start3A_53 : memref<1x128xi32, #tpu.memory_space<hbm>>) target(%arg8 : memref<1x128xi32, #tpu.memory_space<vmem>>) target_semaphore(%run_scoped3A_47 : memref<!tpu.dma_semaphore, #tpu.memory_space<semaphore_mem>>)
        %dma_wait3A = arith.constant 0 : i32
        %dma_wait3A_54 = tpu.memref_slice %arg2[%run_scoped3A_43, %add3A_42, %dma_wait3A] : memref<2x2500x128xi32, #tpu.memory_space<hbm>> -> memref<1x1x128xi32, #tpu.memory_space<hbm>>
        %dma_wait3A_55 = tpu.memref_squeeze %dma_wait3A_54 : memref<1x1x128xi32, #tpu.memory_space<hbm>> -> memref<1x128xi32, #tpu.memory_space<hbm>>
        %dma_wait3A_56 = arith.constant 0 : i32
        %dma_wait3A_57 = tpu.memref_slice %arg2[%run_scoped3A_43, %add3A_42, %dma_wait3A_56] : memref<2x2500x128xi32, #tpu.memory_space<hbm>> -> memref<1x1x128xi32, #tpu.memory_space<hbm>>
        %dma_wait3A_58 = tpu.memref_squeeze %dma_wait3A_57 : memref<1x1x128xi32, #tpu.memory_space<hbm>> -> memref<1x128xi32, #tpu.memory_space<hbm>>
        tpu.wait_dma2 semaphore(%run_scoped3A_47 : memref<!tpu.dma_semaphore, #tpu.memory_space<semaphore_mem>>) src(%dma_wait3A_58 : memref<1x128xi32, #tpu.memory_space<hbm>>) dst(%arg8 : memref<1x128xi32, #tpu.memory_space<vmem>>)
        tpu.yield
      }) : () -> ()
      %add3A_44 = arith.constant 2496 : i32
      %add3A_45 = arith.addi %add3A_44, %add3A : i32
      %run_scoped3A_46 = arith.constant 1 : i32
      "tpu.region"() ({
        %run_scoped3A_47 = tpu.sem_alloc : memref<!tpu.dma_semaphore, #tpu.memory_space<semaphore_mem>>
        %dma_start3A_48 = arith.constant 0 : i32
        %dma_start3A_49 = tpu.memref_slice %arg2[%run_scoped3A_46, %add3A_45, %dma_start3A_48] : memref<2x2500x128xi32, #tpu.memory_space<hbm>> -> memref<1x1x128xi32, #tpu.memory_space<hbm>>
        %dma_start3A_50 = tpu.memref_squeeze %dma_start3A_49 : memref<1x1x128xi32, #tpu.memory_space<hbm>> -> memref<1x128xi32, #tpu.memory_space<hbm>>
        %dma_start3A_51 = arith.constant 0 : i32
        %dma_start3A_52 = tpu.memref_slice %arg2[%run_scoped3A_46, %add3A_45, %dma_start3A_51] : memref<2x2500x128xi32, #tpu.memory_space<hbm>> -> memref<1x1x128xi32, #tpu.memory_space<hbm>>
        %dma_start3A_53 = tpu.memref_squeeze %dma_start3A_52 : memref<1x1x128xi32, #tpu.memory_space<hbm>> -> memref<1x128xi32, #tpu.memory_space<hbm>>
        tpu.enqueue_dma source(%dma_start3A_53 : memref<1x128xi32, #tpu.memory_space<hbm>>) target(%arg9 : memref<1x128xi32, #tpu.memory_space<vmem>>) target_semaphore(%run_scoped3A_47 : memref<!tpu.dma_semaphore, #tpu.memory_space<semaphore_mem>>)
        %dma_wait3A = arith.constant 0 : i32
        %dma_wait3A_54 = tpu.memref_slice %arg2[%run_scoped3A_46, %add3A_45, %dma_wait3A] : memref<2x2500x128xi32, #tpu.memory_space<hbm>> -> memref<1x1x128xi32, #tpu.memory_space<hbm>>
        %dma_wait3A_55 = tpu.memref_squeeze %dma_wait3A_54 : memref<1x1x128xi32, #tpu.memory_space<hbm>> -> memref<1x128xi32, #tpu.memory_space<hbm>>
        %dma_wait3A_56 = arith.constant 0 : i32
        %dma_wait3A_57 = tpu.memref_slice %arg2[%run_scoped3A_46, %add3A_45, %dma_wait3A_56] : memref<2x2500x128xi32, #tpu.memory_space<hbm>> -> memref<1x1x128xi32, #tpu.memory_space<hbm>>
        %dma_wait3A_58 = tpu.memref_squeeze %dma_wait3A_57 : memref<1x1x128xi32, #tpu.memory_space<hbm>> -> memref<1x128xi32, #tpu.memory_space<hbm>>
        tpu.wait_dma2 semaphore(%run_scoped3A_47 : memref<!tpu.dma_semaphore, #tpu.memory_space<semaphore_mem>>) src(%dma_wait3A_58 : memref<1x128xi32, #tpu.memory_space<hbm>>) dst(%arg9 : memref<1x128xi32, #tpu.memory_space<vmem>>)
        tpu.yield
      }) : () -> ()
    } else {
    }
    %barrier3A = arith.constant 0 : index
    tpu.barrier barrier_id(%barrier3A)
    %dma_start3A = arith.constant 0 : i32
    %dma_start3A_10 = arith.constant 0 : i32
    %dma_start3A_11 = tpu.memref_slice %arg7[%dma_start3A, %dma_start3A_10] : memref<78x128xi32, #tpu.memory_space<vmem>> -> memref<1x128xi32, #tpu.memory_space<vmem>>
    %dma_start3A_12 = tpu.memref_squeeze %dma_start3A_11 : memref<1x128xi32, #tpu.memory_space<vmem>> -> memref<128xi32, #tpu.memory_space<vmem>>
    %dma_start3A_13 = arith.constant 0 : i32
    %dma_start3A_14 = arith.constant 0 : i32
    %dma_start3A_15 = tpu.memref_slice %arg3[%dma_start3A_13, %dma_start3A_14] : memref<10240x64xbf16, #tpu.memory_space<hbm>> -> memref<10240x64xbf16, #tpu.memory_space<hbm>>
    tpu.enqueue_indirect_dma source(%dma_start3A_15 : memref<10240x64xbf16, #tpu.memory_space<hbm>>) target(%arg10 : memref<128x64xbf16, #tpu.memory_space<vmem>>) offsets(%dma_start3A_12 : memref<128xi32, #tpu.memory_space<vmem>>) semaphore(%arg14 : memref<!tpu.dma_semaphore, #tpu.memory_space<semaphore_mem>>)
    %dma_start3A_16 = arith.constant 1 : i32
    %dma_start3A_17 = arith.constant 0 : i32
    %dma_start3A_18 = tpu.memref_slice %arg7[%dma_start3A_16, %dma_start3A_17] : memref<78x128xi32, #tpu.memory_space<vmem>> -> memref<1x128xi32, #tpu.memory_space<vmem>>
    %dma_start3A_19 = tpu.memref_squeeze %dma_start3A_18 : memref<1x128xi32, #tpu.memory_space<vmem>> -> memref<128xi32, #tpu.memory_space<vmem>>
    %dma_start3A_20 = arith.constant 0 : i32
    %dma_start3A_21 = arith.constant 0 : i32
    %dma_start3A_22 = tpu.memref_slice %arg3[%dma_start3A_20, %dma_start3A_21] : memref<10240x64xbf16, #tpu.memory_space<hbm>> -> memref<10240x64xbf16, #tpu.memory_space<hbm>>
    tpu.enqueue_indirect_dma source(%dma_start3A_22 : memref<10240x64xbf16, #tpu.memory_space<hbm>>) target(%arg11 : memref<128x64xbf16, #tpu.memory_space<vmem>>) offsets(%dma_start3A_19 : memref<128xi32, #tpu.memory_space<vmem>>) semaphore(%arg15 : memref<!tpu.dma_semaphore, #tpu.memory_space<semaphore_mem>>)
    %scan3A = arith.constant 0 : i32
    %scan3A_23 = arith.constant 0 : i32
    %scan3A_24 = arith.constant 26 : i32
    %scan3A_25 = arith.addi %scan3A_23, %scan3A_24 : i32
    %scan3A_26 = arith.constant 1 : i32
    scf.for %scan3A_41 = %scan3A_23 to %scan3A_25 step %scan3A_26  : i32 {
      %mul3A_42 = arith.constant 3 : i32
      %mul3A_43 = arith.muli %mul3A_42, %scan3A_41 : i32
      %add3A_44 = arith.constant 0 : i32
      %add3A_45 = arith.addi %mul3A_43, %add3A_44 : i32
      %add3A_46 = arith.constant 2 : i32
      %add3A_47 = arith.addi %add3A_45, %add3A_46 : i32
      %lt3A_48 = arith.constant 78 : i32
      %lt3A_49 = arith.cmpi slt, %add3A_47, %lt3A_48 : i32
      %add3A_50 = arith.constant 0 : i32
      %add3A_51 = arith.addi %mul3A_43, %add3A_50 : i32
      %add3A_52 = arith.constant 2 : i32
      %add3A_53 = arith.addi %add3A_51, %add3A_52 : i32
      %convert_element_type3A_54 = arith.extui %lt3A_49 : i1 to i32
      %cond3A_55 = arith.constant 0 : i32
      %cond3A_56 = arith.cmpi ne, %convert_element_type3A_54, %cond3A_55 : i32
      scf.if %cond3A_56 {
        %dma_start3A_112 = arith.constant 0 : i32
        %dma_start3A_113 = tpu.memref_slice %arg7[%add3A_53, %dma_start3A_112] : memref<78x128xi32, #tpu.memory_space<vmem>> -> memref<1x128xi32, #tpu.memory_space<vmem>>
        %dma_start3A_114 = tpu.memref_squeeze %dma_start3A_113 : memref<1x128xi32, #tpu.memory_space<vmem>> -> memref<128xi32, #tpu.memory_space<vmem>>
        %dma_start3A_115 = arith.constant 0 : i32
        %dma_start3A_116 = arith.constant 0 : i32
        %dma_start3A_117 = tpu.memref_slice %arg3[%dma_start3A_115, %dma_start3A_116] : memref<10240x64xbf16, #tpu.memory_space<hbm>> -> memref<10240x64xbf16, #tpu.memory_space<hbm>>
        tpu.enqueue_indirect_dma source(%dma_start3A_117 : memref<10240x64xbf16, #tpu.memory_space<hbm>>) target(%arg12 : memref<128x64xbf16, #tpu.memory_space<vmem>>) offsets(%dma_start3A_114 : memref<128xi32, #tpu.memory_space<vmem>>) semaphore(%arg16 : memref<!tpu.dma_semaphore, #tpu.memory_space<semaphore_mem>>)
      } else {
      }
      %add3A_57 = arith.constant 0 : i32
      %add3A_58 = arith.addi %mul3A_43, %add3A_57 : i32
      %dma_wait3A = arith.constant 0 : i32
      %dma_wait3A_59 = tpu.memref_slice %arg7[%add3A_58, %dma_wait3A] : memref<78x128xi32, #tpu.memory_space<vmem>> -> memref<1x128xi32, #tpu.memory_space<vmem>>
      %dma_wait3A_60 = tpu.memref_squeeze %dma_wait3A_59 : memref<1x128xi32, #tpu.memory_space<vmem>> -> memref<128xi32, #tpu.memory_space<vmem>>
      %dma_wait3A_61 = arith.constant 0 : i32
      %dma_wait3A_62 = arith.constant 0 : i32
      %dma_wait3A_63 = tpu.memref_slice %arg3[%dma_wait3A_61, %dma_wait3A_62] : memref<10240x64xbf16, #tpu.memory_space<hbm>> -> memref<10240x64xbf16, #tpu.memory_space<hbm>>
      tpu.wait_indirect_dma semaphore(%arg14 : memref<!tpu.dma_semaphore, #tpu.memory_space<semaphore_mem>>) src(%dma_wait3A_63 : memref<10240x64xbf16, #tpu.memory_space<hbm>>) dst(%arg10 : memref<128x64xbf16, #tpu.memory_space<vmem>>)
      %add3A_64 = arith.constant 0 : i32
      %add3A_65 = arith.addi %mul3A_43, %add3A_64 : i32
      "tpu.region"() ({
        %run_scoped3A_112 = tpu.sem_alloc : memref<!tpu.dma_semaphore, #tpu.memory_space<semaphore_mem>>
        %dma_start3A_113 = arith.constant 0 : i32
        %dma_start3A_114 = tpu.memref_slice %arg6[%add3A_65, %dma_start3A_113] : memref<78x128xi32, #tpu.memory_space<vmem>> -> memref<1x128xi32, #tpu.memory_space<vmem>>
        %dma_start3A_115 = tpu.memref_squeeze %dma_start3A_114 : memref<1x128xi32, #tpu.memory_space<vmem>> -> memref<128xi32, #tpu.memory_space<vmem>>
        %dma_start3A_116 = arith.constant 0 : i32
        %dma_start3A_117 = arith.constant 0 : i32
        %dma_start3A_118 = tpu.memref_slice %arg13[%dma_start3A_116, %dma_start3A_117] : memref<10240x64xbf16, #tpu.memory_space<vmem_shared>> -> memref<10240x64xbf16, #tpu.memory_space<vmem_shared>>
        tpu.enqueue_indirect_dma source(%arg10 : memref<128x64xbf16, #tpu.memory_space<vmem>>) target(%dma_start3A_118 : memref<10240x64xbf16, #tpu.memory_space<vmem_shared>>) offsets(%dma_start3A_115 : memref<128xi32, #tpu.memory_space<vmem>>) semaphore(%run_scoped3A_112 : memref<!tpu.dma_semaphore, #tpu.memory_space<semaphore_mem>>) {add = true}
        %dma_wait3A_119 = arith.constant 0 : i32
        %dma_wait3A_120 = tpu.memref_slice %arg6[%add3A_65, %dma_wait3A_119] : memref<78x128xi32, #tpu.memory_space<vmem>> -> memref<1x128xi32, #tpu.memory_space<vmem>>
        %dma_wait3A_121 = tpu.memref_squeeze %dma_wait3A_120 : memref<1x128xi32, #tpu.memory_space<vmem>> -> memref<128xi32, #tpu.memory_space<vmem>>
        %dma_wait3A_122 = arith.constant 0 : i32
        %dma_wait3A_123 = arith.constant 0 : i32
        %dma_wait3A_124 = tpu.memref_slice %arg13[%dma_wait3A_122, %dma_wait3A_123] : memref<10240x64xbf16, #tpu.memory_space<vmem_shared>> -> memref<10240x64xbf16, #tpu.memory_space<vmem_shared>>
        tpu.wait_indirect_dma semaphore(%run_scoped3A_112 : memref<!tpu.dma_semaphore, #tpu.memory_space<semaphore_mem>>) src(%arg10 : memref<128x64xbf16, #tpu.memory_space<vmem>>) dst(%dma_wait3A_124 : memref<10240x64xbf16, #tpu.memory_space<vmem_shared>>)
        tpu.yield
      }) : () -> ()
      %add3A_66 = arith.constant 1 : i32
      %add3A_67 = arith.addi %mul3A_43, %add3A_66 : i32
      %add3A_68 = arith.constant 2 : i32
      %add3A_69 = arith.addi %add3A_67, %add3A_68 : i32
      %lt3A_70 = arith.constant 78 : i32
      %lt3A_71 = arith.cmpi slt, %add3A_69, %lt3A_70 : i32
      %add3A_72 = arith.constant 1 : i32
      %add3A_73 = arith.addi %mul3A_43, %add3A_72 : i32
      %add3A_74 = arith.constant 2 : i32
      %add3A_75 = arith.addi %add3A_73, %add3A_74 : i32
      %convert_element_type3A_76 = arith.extui %lt3A_71 : i1 to i32
      %cond3A_77 = arith.constant 0 : i32
      %cond3A_78 = arith.cmpi ne, %convert_element_type3A_76, %cond3A_77 : i32
      scf.if %cond3A_78 {
        %dma_start3A_112 = arith.constant 0 : i32
        %dma_start3A_113 = tpu.memref_slice %arg7[%add3A_75, %dma_start3A_112] : memref<78x128xi32, #tpu.memory_space<vmem>> -> memref<1x128xi32, #tpu.memory_space<vmem>>
        %dma_start3A_114 = tpu.memref_squeeze %dma_start3A_113 : memref<1x128xi32, #tpu.memory_space<vmem>> -> memref<128xi32, #tpu.memory_space<vmem>>
        %dma_start3A_115 = arith.constant 0 : i32
        %dma_start3A_116 = arith.constant 0 : i32
        %dma_start3A_117 = tpu.memref_slice %arg3[%dma_start3A_115, %dma_start3A_116] : memref<10240x64xbf16, #tpu.memory_space<hbm>> -> memref<10240x64xbf16, #tpu.memory_space<hbm>>
        tpu.enqueue_indirect_dma source(%dma_start3A_117 : memref<10240x64xbf16, #tpu.memory_space<hbm>>) target(%arg10 : memref<128x64xbf16, #tpu.memory_space<vmem>>) offsets(%dma_start3A_114 : memref<128xi32, #tpu.memory_space<vmem>>) semaphore(%arg14 : memref<!tpu.dma_semaphore, #tpu.memory_space<semaphore_mem>>)
      } else {
      }
      %add3A_79 = arith.constant 1 : i32
      %add3A_80 = arith.addi %mul3A_43, %add3A_79 : i32
      %dma_wait3A_81 = arith.constant 0 : i32
      %dma_wait3A_82 = tpu.memref_slice %arg7[%add3A_80, %dma_wait3A_81] : memref<78x128xi32, #tpu.memory_space<vmem>> -> memref<1x128xi32, #tpu.memory_space<vmem>>
      %dma_wait3A_83 = tpu.memref_squeeze %dma_wait3A_82 : memref<1x128xi32, #tpu.memory_space<vmem>> -> memref<128xi32, #tpu.memory_space<vmem>>
      %dma_wait3A_84 = arith.constant 0 : i32
      %dma_wait3A_85 = arith.constant 0 : i32
      %dma_wait3A_86 = tpu.memref_slice %arg3[%dma_wait3A_84, %dma_wait3A_85] : memref<10240x64xbf16, #tpu.memory_space<hbm>> -> memref<10240x64xbf16, #tpu.memory_space<hbm>>
      tpu.wait_indirect_dma semaphore(%arg15 : memref<!tpu.dma_semaphore, #tpu.memory_space<semaphore_mem>>) src(%dma_wait3A_86 : memref<10240x64xbf16, #tpu.memory_space<hbm>>) dst(%arg11 : memref<128x64xbf16, #tpu.memory_space<vmem>>)
      %add3A_87 = arith.constant 1 : i32
      %add3A_88 = arith.addi %mul3A_43, %add3A_87 : i32
      "tpu.region"() ({
        %run_scoped3A_112 = tpu.sem_alloc : memref<!tpu.dma_semaphore, #tpu.memory_space<semaphore_mem>>
        %dma_start3A_113 = arith.constant 0 : i32
        %dma_start3A_114 = tpu.memref_slice %arg6[%add3A_88, %dma_start3A_113] : memref<78x128xi32, #tpu.memory_space<vmem>> -> memref<1x128xi32, #tpu.memory_space<vmem>>
        %dma_start3A_115 = tpu.memref_squeeze %dma_start3A_114 : memref<1x128xi32, #tpu.memory_space<vmem>> -> memref<128xi32, #tpu.memory_space<vmem>>
        %dma_start3A_116 = arith.constant 0 : i32
        %dma_start3A_117 = arith.constant 0 : i32
        %dma_start3A_118 = tpu.memref_slice %arg13[%dma_start3A_116, %dma_start3A_117] : memref<10240x64xbf16, #tpu.memory_space<vmem_shared>> -> memref<10240x64xbf16, #tpu.memory_space<vmem_shared>>
        tpu.enqueue_indirect_dma source(%arg11 : memref<128x64xbf16, #tpu.memory_space<vmem>>) target(%dma_start3A_118 : memref<10240x64xbf16, #tpu.memory_space<vmem_shared>>) offsets(%dma_start3A_115 : memref<128xi32, #tpu.memory_space<vmem>>) semaphore(%run_scoped3A_112 : memref<!tpu.dma_semaphore, #tpu.memory_space<semaphore_mem>>) {add = true}
        %dma_wait3A_119 = arith.constant 0 : i32
        %dma_wait3A_120 = tpu.memref_slice %arg6[%add3A_88, %dma_wait3A_119] : memref<78x128xi32, #tpu.memory_space<vmem>> -> memref<1x128xi32, #tpu.memory_space<vmem>>
        %dma_wait3A_121 = tpu.memref_squeeze %dma_wait3A_120 : memref<1x128xi32, #tpu.memory_space<vmem>> -> memref<128xi32, #tpu.memory_space<vmem>>
        %dma_wait3A_122 = arith.constant 0 : i32
        %dma_wait3A_123 = arith.constant 0 : i32
        %dma_wait3A_124 = tpu.memref_slice %arg13[%dma_wait3A_122, %dma_wait3A_123] : memref<10240x64xbf16, #tpu.memory_space<vmem_shared>> -> memref<10240x64xbf16, #tpu.memory_space<vmem_shared>>
        tpu.wait_indirect_dma semaphore(%run_scoped3A_112 : memref<!tpu.dma_semaphore, #tpu.memory_space<semaphore_mem>>) src(%arg11 : memref<128x64xbf16, #tpu.memory_space<vmem>>) dst(%dma_wait3A_124 : memref<10240x64xbf16, #tpu.memory_space<vmem_shared>>)
        tpu.yield
      }) : () -> ()
      %add3A_89 = arith.constant 2 : i32
      %add3A_90 = arith.addi %mul3A_43, %add3A_89 : i32
      %add3A_91 = arith.constant 2 : i32
      %add3A_92 = arith.addi %add3A_90, %add3A_91 : i32
      %lt3A_93 = arith.constant 78 : i32
      %lt3A_94 = arith.cmpi slt, %add3A_92, %lt3A_93 : i32
      %add3A_95 = arith.constant 2 : i32
      %add3A_96 = arith.addi %mul3A_43, %add3A_95 : i32
      %add3A_97 = arith.constant 2 : i32
      %add3A_98 = arith.addi %add3A_96, %add3A_97 : i32
      %convert_element_type3A_99 = arith.extui %lt3A_94 : i1 to i32
      %cond3A_100 = arith.constant 0 : i32
      %cond3A_101 = arith.cmpi ne, %convert_element_type3A_99, %cond3A_100 : i32
      scf.if %cond3A_101 {
        %dma_start3A_112 = arith.constant 0 : i32
        %dma_start3A_113 = tpu.memref_slice %arg7[%add3A_98, %dma_start3A_112] : memref<78x128xi32, #tpu.memory_space<vmem>> -> memref<1x128xi32, #tpu.memory_space<vmem>>
        %dma_start3A_114 = tpu.memref_squeeze %dma_start3A_113 : memref<1x128xi32, #tpu.memory_space<vmem>> -> memref<128xi32, #tpu.memory_space<vmem>>
        %dma_start3A_115 = arith.constant 0 : i32
        %dma_start3A_116 = arith.constant 0 : i32
        %dma_start3A_117 = tpu.memref_slice %arg3[%dma_start3A_115, %dma_start3A_116] : memref<10240x64xbf16, #tpu.memory_space<hbm>> -> memref<10240x64xbf16, #tpu.memory_space<hbm>>
        tpu.enqueue_indirect_dma source(%dma_start3A_117 : memref<10240x64xbf16, #tpu.memory_space<hbm>>) target(%arg11 : memref<128x64xbf16, #tpu.memory_space<vmem>>) offsets(%dma_start3A_114 : memref<128xi32, #tpu.memory_space<vmem>>) semaphore(%arg15 : memref<!tpu.dma_semaphore, #tpu.memory_space<semaphore_mem>>)
      } else {
      }
      %add3A_102 = arith.constant 2 : i32
      %add3A_103 = arith.addi %mul3A_43, %add3A_102 : i32
      %dma_wait3A_104 = arith.constant 0 : i32
      %dma_wait3A_105 = tpu.memref_slice %arg7[%add3A_103, %dma_wait3A_104] : memref<78x128xi32, #tpu.memory_space<vmem>> -> memref<1x128xi32, #tpu.memory_space<vmem>>
      %dma_wait3A_106 = tpu.memref_squeeze %dma_wait3A_105 : memref<1x128xi32, #tpu.memory_space<vmem>> -> memref<128xi32, #tpu.memory_space<vmem>>
      %dma_wait3A_107 = arith.constant 0 : i32
      %dma_wait3A_108 = arith.constant 0 : i32
      %dma_wait3A_109 = tpu.memref_slice %arg3[%dma_wait3A_107, %dma_wait3A_108] : memref<10240x64xbf16, #tpu.memory_space<hbm>> -> memref<10240x64xbf16, #tpu.memory_space<hbm>>
      tpu.wait_indirect_dma semaphore(%arg16 : memref<!tpu.dma_semaphore, #tpu.memory_space<semaphore_mem>>) src(%dma_wait3A_109 : memref<10240x64xbf16, #tpu.memory_space<hbm>>) dst(%arg12 : memref<128x64xbf16, #tpu.memory_space<vmem>>)
      %add3A_110 = arith.constant 2 : i32
      %add3A_111 = arith.addi %mul3A_43, %add3A_110 : i32
      "tpu.region"() ({
        %run_scoped3A_112 = tpu.sem_alloc : memref<!tpu.dma_semaphore, #tpu.memory_space<semaphore_mem>>
        %dma_start3A_113 = arith.constant 0 : i32
        %dma_start3A_114 = tpu.memref_slice %arg6[%add3A_111, %dma_start3A_113] : memref<78x128xi32, #tpu.memory_space<vmem>> -> memref<1x128xi32, #tpu.memory_space<vmem>>
        %dma_start3A_115 = tpu.memref_squeeze %dma_start3A_114 : memref<1x128xi32, #tpu.memory_space<vmem>> -> memref<128xi32, #tpu.memory_space<vmem>>
        %dma_start3A_116 = arith.constant 0 : i32
        %dma_start3A_117 = arith.constant 0 : i32
        %dma_start3A_118 = tpu.memref_slice %arg13[%dma_start3A_116, %dma_start3A_117] : memref<10240x64xbf16, #tpu.memory_space<vmem_shared>> -> memref<10240x64xbf16, #tpu.memory_space<vmem_shared>>
        tpu.enqueue_indirect_dma source(%arg12 : memref<128x64xbf16, #tpu.memory_space<vmem>>) target(%dma_start3A_118 : memref<10240x64xbf16, #tpu.memory_space<vmem_shared>>) offsets(%dma_start3A_115 : memref<128xi32, #tpu.memory_space<vmem>>) semaphore(%run_scoped3A_112 : memref<!tpu.dma_semaphore, #tpu.memory_space<semaphore_mem>>) {add = true}
        %dma_wait3A_119 = arith.constant 0 : i32
        %dma_wait3A_120 = tpu.memref_slice %arg6[%add3A_111, %dma_wait3A_119] : memref<78x128xi32, #tpu.memory_space<vmem>> -> memref<1x128xi32, #tpu.memory_space<vmem>>
        %dma_wait3A_121 = tpu.memref_squeeze %dma_wait3A_120 : memref<1x128xi32, #tpu.memory_space<vmem>> -> memref<128xi32, #tpu.memory_space<vmem>>
        %dma_wait3A_122 = arith.constant 0 : i32
        %dma_wait3A_123 = arith.constant 0 : i32
        %dma_wait3A_124 = tpu.memref_slice %arg13[%dma_wait3A_122, %dma_wait3A_123] : memref<10240x64xbf16, #tpu.memory_space<vmem_shared>> -> memref<10240x64xbf16, #tpu.memory_space<vmem_shared>>
        tpu.wait_indirect_dma semaphore(%run_scoped3A_112 : memref<!tpu.dma_semaphore, #tpu.memory_space<semaphore_mem>>) src(%arg12 : memref<128x64xbf16, #tpu.memory_space<vmem>>) dst(%dma_wait3A_124 : memref<10240x64xbf16, #tpu.memory_space<vmem_shared>>)
        tpu.yield
      }) : () -> ()
    }
    %scan3A_27 = arith.constant 26 : i32
    %lt3A_28 = arith.constant 4 : i32
    %lt3A_29 = arith.cmpi slt, %add3A, %lt3A_28 : i32
    %convert_element_type3A_30 = arith.extui %lt3A_29 : i1 to i32
    %cond3A_31 = arith.constant 0 : i32
    %cond3A_32 = arith.cmpi ne, %convert_element_type3A_30, %cond3A_31 : i32
    scf.if %cond3A_32 {
      %dma_start3A_41 = arith.constant 0 : i32
      %dma_start3A_42 = arith.constant 0 : i32
      %dma_start3A_43 = tpu.memref_slice %arg9[%dma_start3A_41, %dma_start3A_42] : memref<1x128xi32, #tpu.memory_space<vmem>> -> memref<1x128xi32, #tpu.memory_space<vmem>>
      %dma_start3A_44 = tpu.memref_squeeze %dma_start3A_43 : memref<1x128xi32, #tpu.memory_space<vmem>> -> memref<128xi32, #tpu.memory_space<vmem>>
      %dma_start3A_45 = arith.constant 0 : i32
      %dma_start3A_46 = arith.constant 0 : i32
      %dma_start3A_47 = tpu.memref_slice %arg3[%dma_start3A_45, %dma_start3A_46] : memref<10240x64xbf16, #tpu.memory_space<hbm>> -> memref<10240x64xbf16, #tpu.memory_space<hbm>>
      tpu.enqueue_indirect_dma source(%dma_start3A_47 : memref<10240x64xbf16, #tpu.memory_space<hbm>>) target(%arg10 : memref<128x64xbf16, #tpu.memory_space<vmem>>) offsets(%dma_start3A_44 : memref<128xi32, #tpu.memory_space<vmem>>) semaphore(%arg14 : memref<!tpu.dma_semaphore, #tpu.memory_space<semaphore_mem>>)
      %dma_wait3A = arith.constant 0 : i32
      %dma_wait3A_48 = arith.constant 0 : i32
      %dma_wait3A_49 = tpu.memref_slice %arg9[%dma_wait3A, %dma_wait3A_48] : memref<1x128xi32, #tpu.memory_space<vmem>> -> memref<1x128xi32, #tpu.memory_space<vmem>>
      %dma_wait3A_50 = tpu.memref_squeeze %dma_wait3A_49 : memref<1x128xi32, #tpu.memory_space<vmem>> -> memref<128xi32, #tpu.memory_space<vmem>>
      %dma_wait3A_51 = arith.constant 0 : i32
      %dma_wait3A_52 = arith.constant 0 : i32
      %dma_wait3A_53 = tpu.memref_slice %arg3[%dma_wait3A_51, %dma_wait3A_52] : memref<10240x64xbf16, #tpu.memory_space<hbm>> -> memref<10240x64xbf16, #tpu.memory_space<hbm>>
      tpu.wait_indirect_dma semaphore(%arg14 : memref<!tpu.dma_semaphore, #tpu.memory_space<semaphore_mem>>) src(%dma_wait3A_53 : memref<10240x64xbf16, #tpu.memory_space<hbm>>) dst(%arg10 : memref<128x64xbf16, #tpu.memory_space<vmem>>)
      %run_scoped3A_54 = arith.constant 0 : i32
      "tpu.region"() ({
        %run_scoped3A_55 = tpu.sem_alloc : memref<!tpu.dma_semaphore, #tpu.memory_space<semaphore_mem>>
        %dma_start3A_56 = arith.constant 0 : i32
        %dma_start3A_57 = tpu.memref_slice %arg8[%run_scoped3A_54, %dma_start3A_56] : memref<1x128xi32, #tpu.memory_space<vmem>> -> memref<1x128xi32, #tpu.memory_space<vmem>>
        %dma_start3A_58 = tpu.memref_squeeze %dma_start3A_57 : memref<1x128xi32, #tpu.memory_space<vmem>> -> memref<128xi32, #tpu.memory_space<vmem>>
        %dma_start3A_59 = arith.constant 0 : i32
        %dma_start3A_60 = arith.constant 0 : i32
        %dma_start3A_61 = tpu.memref_slice %arg13[%dma_start3A_59, %dma_start3A_60] : memref<10240x64xbf16, #tpu.memory_space<vmem_shared>> -> memref<10240x64xbf16, #tpu.memory_space<vmem_shared>>
        tpu.enqueue_indirect_dma source(%arg10 : memref<128x64xbf16, #tpu.memory_space<vmem>>) target(%dma_start3A_61 : memref<10240x64xbf16, #tpu.memory_space<vmem_shared>>) offsets(%dma_start3A_58 : memref<128xi32, #tpu.memory_space<vmem>>) semaphore(%run_scoped3A_55 : memref<!tpu.dma_semaphore, #tpu.memory_space<semaphore_mem>>) {add = true}
        %dma_wait3A_62 = arith.constant 0 : i32
        %dma_wait3A_63 = tpu.memref_slice %arg8[%run_scoped3A_54, %dma_wait3A_62] : memref<1x128xi32, #tpu.memory_space<vmem>> -> memref<1x128xi32, #tpu.memory_space<vmem>>
        %dma_wait3A_64 = tpu.memref_squeeze %dma_wait3A_63 : memref<1x128xi32, #tpu.memory_space<vmem>> -> memref<128xi32, #tpu.memory_space<vmem>>
        %dma_wait3A_65 = arith.constant 0 : i32
        %dma_wait3A_66 = arith.constant 0 : i32
        %dma_wait3A_67 = tpu.memref_slice %arg13[%dma_wait3A_65, %dma_wait3A_66] : memref<10240x64xbf16, #tpu.memory_space<vmem_shared>> -> memref<10240x64xbf16, #tpu.memory_space<vmem_shared>>
        tpu.wait_indirect_dma semaphore(%run_scoped3A_55 : memref<!tpu.dma_semaphore, #tpu.memory_space<semaphore_mem>>) src(%arg10 : memref<128x64xbf16, #tpu.memory_space<vmem>>) dst(%dma_wait3A_67 : memref<10240x64xbf16, #tpu.memory_space<vmem_shared>>)
        tpu.yield
      }) : () -> ()
    } else {
    }
    %barrier3A_33 = arith.constant 0 : index
    tpu.barrier barrier_id(%barrier3A_33)
    %mul3A_34 = arith.constant 640 : i32
    %mul3A_35 = arith.muli %arg1, %mul3A_34 : i32
    %mul3A_36 = arith.constant 10240 : i32
    %mul3A_37 = arith.muli %arg0, %mul3A_36 : i32
    %mul3A_38 = arith.constant 640 : i32
    %mul3A_39 = arith.muli %arg1, %mul3A_38 : i32
    %add3A_40 = arith.addi %mul3A_37, %mul3A_39 : i32
    "tpu.region"() ({
      %run_scoped3A_41 = tpu.sem_alloc : memref<!tpu.dma_semaphore, #tpu.memory_space<semaphore_mem>>
      %dma_start3A_42 = arith.constant 0 : i32
      %dma_start3A_43 = tpu.memref_slice %arg5[%add3A_40, %dma_start3A_42] : memref<20480x64xbf16, #tpu.memory_space<hbm>> -> memref<640x64xbf16, #tpu.memory_space<hbm>>
      %dma_start3A_44 = arith.constant 0 : i32
      %dma_start3A_45 = tpu.memref_slice %arg13[%mul3A_35, %dma_start3A_44] : memref<10240x64xbf16, #tpu.memory_space<vmem_shared>> -> memref<640x64xbf16, #tpu.memory_space<vmem_shared>>
      tpu.enqueue_dma source(%dma_start3A_45 : memref<640x64xbf16, #tpu.memory_space<vmem_shared>>) target(%dma_start3A_43 : memref<640x64xbf16, #tpu.memory_space<hbm>>) target_semaphore(%run_scoped3A_41 : memref<!tpu.dma_semaphore, #tpu.memory_space<semaphore_mem>>)
      %dma_wait3A = arith.constant 0 : i32
      %dma_wait3A_46 = tpu.memref_slice %arg5[%add3A_40, %dma_wait3A] : memref<20480x64xbf16, #tpu.memory_space<hbm>> -> memref<640x64xbf16, #tpu.memory_space<hbm>>
      %dma_wait3A_47 = arith.constant 0 : i32
      %dma_wait3A_48 = tpu.memref_slice %arg13[%mul3A_35, %dma_wait3A_47] : memref<10240x64xbf16, #tpu.memory_space<vmem_shared>> -> memref<640x64xbf16, #tpu.memory_space<vmem_shared>>
      tpu.wait_dma2 semaphore(%run_scoped3A_41 : memref<!tpu.dma_semaphore, #tpu.memory_space<semaphore_mem>>) src(%dma_wait3A_48 : memref<640x64xbf16, #tpu.memory_space<vmem_shared>>) dst(%dma_wait3A_46 : memref<640x64xbf16, #tpu.memory_space<hbm>>)
      tpu.yield
    }) : () -> ()
    return
  }
}

module attributes {stable_mosaic.version = 14 : i64} {
  func.func @body(%arg0: i32, %arg1: memref<2048x128xf32, #tpu.memory_space<vmem>>, %arg2: memref<128x64xf32, #tpu.memory_space<vmem>>, %arg3: memref<2048xf32, #tpu.memory_space<vmem>>, %arg4: memref<2048xf32, #tpu.memory_space<vmem>>, %arg5: memref<2048x64xbf16, #tpu.memory_space<vmem>>) attributes {dimension_semantics = [#tpu.dimension_semantics<arbitrary>], iteration_bounds = array<i64: 5>, scalar_prefetch = 0 : i64, scratch_operands = 0 : i64, tpu.core_type = #tpu.core_type<tc>, window_params = [{transform_indices = @transform_0, window_bounds = array<i64: 2048, 128>}, {pipeline_mode = #tpu.pipeline_mode<synchronous>, transform_indices = @transform_1, window_bounds = array<i64: 128, 64>}, {transform_indices = @transform_2, window_bounds = array<i64: 2048>}, {transform_indices = @transform_3, window_bounds = array<i64: 2048>}, {transform_indices = @transform_4, window_bounds = array<i64: 2048, 64>}]} {
    %get3A = arith.constant 0 : index
    %get3A_0 = arith.constant 0 : index
    %get3A_1 = vector.load %arg1[%get3A, %get3A_0] : memref<2048x128xf32, #tpu.memory_space<vmem>>, vector<2048x128xf32>
    %get3A_2 = arith.constant 0 : index
    %get3A_3 = arith.constant 0 : index
    %get3A_4 = vector.load %arg2[%get3A_2, %get3A_3] : memref<128x64xf32, #tpu.memory_space<vmem>>, vector<128x64xf32>
    %dot_general3A = arith.constant dense<0.000000e+00> : vector<2048x64xf32>
    %dot_general3A_5 = tpu.matmul %get3A_1, %get3A_4, %dot_general3A {dimension_numbers = #tpu.dot_dimension_numbers<[1], [0], [0], [1], [0, 0, 1, 1], [], []>, transpose_lhs_hint = false} : vector<2048x128xf32>, vector<128x64xf32>, vector<2048x64xf32> -> vector<2048x64xf32>
    %get3A_6 = arith.constant 0 : index
    %get3A_7 = vector.load %arg3[%get3A_6] : memref<2048xf32, #tpu.memory_space<vmem>>, vector<2048xf32>
    %add3A = arith.constant 1.000000e+00 : f32
    %add3A_8 = vector.broadcast %add3A : f32 to vector<2048xf32>
    %add3A_9 = arith.addf %add3A_8, %get3A_7 : vector<2048xf32>
    %get3A_10 = arith.constant 0 : index
    %get3A_11 = vector.load %arg4[%get3A_10] : memref<2048xf32, #tpu.memory_space<vmem>>, vector<2048xf32>
    %add3A_12 = arith.addf %add3A_9, %get3A_11 : vector<2048xf32>
    %rsqrt3A = math.rsqrt %add3A_12 : vector<2048xf32>
    %broadcast_in_dim3A = vector.shape_cast %rsqrt3A : vector<2048xf32> to vector<2048x1xf32>
    %mul3A = vector.broadcast %broadcast_in_dim3A : vector<2048x1xf32> to vector<2048x64xf32>
    %mul3A_13 = arith.mulf %dot_general3A_5, %mul3A : vector<2048x64xf32>
    %convert_element_type3A = arith.truncf %mul3A_13 : vector<2048x64xf32> to vector<2048x64xbf16>
    %swap3A = arith.constant 0 : index
    %swap3A_14 = arith.constant 0 : index
    %swap3A_15 = vector.load %arg5[%swap3A, %swap3A_14] : memref<2048x64xbf16, #tpu.memory_space<vmem>>, vector<2048x64xbf16>
    tpu.vector_store %arg5[%swap3A, %swap3A_14], %convert_element_type3A {strides = array<i32>} : memref<2048x64xbf16, #tpu.memory_space<vmem>>, vector<2048x64xbf16>,
    return
  }
  func.func @transform_0(%arg0: i32) -> (i32, i32) {
    %c0_i32 = arith.constant 0 : i32
    %c0_i32_0 = arith.constant 0 : i32
    return %arg0, %c0_i32 : i32, i32
  }
  func.func @transform_1(%arg0: i32) -> (i32, i32) {
    %c0_i32 = arith.constant 0 : i32
    %c0_i32_0 = arith.constant 0 : i32
    %c0_i32_1 = arith.constant 0 : i32
    return %c0_i32, %c0_i32_0 : i32, i32
  }
  func.func @transform_2(%arg0: i32) -> i32 {
    %c0_i32 = arith.constant 0 : i32
    return %arg0 : i32
  }
  func.func @transform_3(%arg0: i32) -> i32 {
    %add3A = arith.constant 5 : i32
    %add3A_0 = arith.addi %arg0, %add3A : i32
    %c0_i32 = arith.constant 0 : i32
    return %add3A_0 : i32
  }
  func.func @transform_4(%arg0: i32) -> (i32, i32) {
    %c0_i32 = arith.constant 0 : i32
    %c0_i32_0 = arith.constant 0 : i32
    return %arg0, %c0_i32 : i32, i32
  }
}

module attributes {stable_mosaic.version = 14 : i64} {
  func.func @body(%arg0: i32, %arg1: memref<2048x64xbf16, #tpu.memory_space<vmem>>, %arg2: memref<2048x64xbf16, #tpu.memory_space<vmem>>, %arg3: memref<2048x64xbf16, #tpu.memory_space<vmem>>, %arg4: memref<2048xf32, #tpu.memory_space<vmem>>, %arg5: memref<2048xf32, #tpu.memory_space<vmem>>, %arg6: memref<64x32xf32, #tpu.memory_space<vmem>>, %arg7: memref<32xf32, #tpu.memory_space<vmem>>, %arg8: memref<2048xf32, #tpu.memory_space<vmem>>) attributes {dimension_semantics = [#tpu.dimension_semantics<arbitrary>], iteration_bounds = array<i64: 5>, scalar_prefetch = 0 : i64, scratch_operands = 0 : i64, tpu.core_type = #tpu.core_type<tc>, window_params = [{transform_indices = @transform_0, window_bounds = array<i64: 2048, 64>}, {transform_indices = @transform_1, window_bounds = array<i64: 2048, 64>}, {transform_indices = @transform_2, window_bounds = array<i64: 2048, 64>}, {transform_indices = @transform_3, window_bounds = array<i64: 2048>}, {transform_indices = @transform_4, window_bounds = array<i64: 2048>}, {pipeline_mode = #tpu.pipeline_mode<synchronous>, transform_indices = @transform_5, window_bounds = array<i64: 64, 32>}, {pipeline_mode = #tpu.pipeline_mode<synchronous>, transform_indices = @transform_6, window_bounds = array<i64: 32>}, {transform_indices = @transform_7, window_bounds = array<i64: 2048>}]} {
    %get3A = arith.constant 0 : index
    %get3A_0 = vector.load %arg4[%get3A] : memref<2048xf32, #tpu.memory_space<vmem>>, vector<2048xf32>
    %add3A = arith.constant 1.000000e+00 : f32
    %add3A_1 = vector.broadcast %add3A : f32 to vector<2048xf32>
    %add3A_2 = arith.addf %add3A_1, %get3A_0 : vector<2048xf32>
    %get3A_3 = arith.constant 0 : index
    %get3A_4 = vector.load %arg5[%get3A_3] : memref<2048xf32, #tpu.memory_space<vmem>>, vector<2048xf32>
    %add3A_5 = arith.addf %add3A_2, %get3A_4 : vector<2048xf32>
    %rsqrt3A = math.rsqrt %add3A_5 : vector<2048xf32>
    %get3A_6 = arith.constant 0 : index
    %get3A_7 = arith.constant 0 : index
    %get3A_8 = vector.load %arg1[%get3A_6, %get3A_7] : memref<2048x64xbf16, #tpu.memory_space<vmem>>, vector<2048x64xbf16>
    %convert_element_type3A = arith.extf %get3A_8 : vector<2048x64xbf16> to vector<2048x64xf32>
    %get3A_9 = arith.constant 0 : index
    %get3A_10 = arith.constant 0 : index
    %get3A_11 = vector.load %arg2[%get3A_9, %get3A_10] : memref<2048x64xbf16, #tpu.memory_space<vmem>>, vector<2048x64xbf16>
    %convert_element_type3A_12 = arith.extf %get3A_11 : vector<2048x64xbf16> to vector<2048x64xf32>
    %add3A_13 = arith.addf %convert_element_type3A, %convert_element_type3A_12 : vector<2048x64xf32>
    %get3A_14 = arith.constant 0 : index
    %get3A_15 = arith.constant 0 : index
    %get3A_16 = vector.load %arg3[%get3A_14, %get3A_15] : memref<2048x64xbf16, #tpu.memory_space<vmem>>, vector<2048x64xbf16>
    %convert_element_type3A_17 = arith.extf %get3A_16 : vector<2048x64xbf16> to vector<2048x64xf32>
    %add3A_18 = arith.addf %add3A_13, %convert_element_type3A_17 : vector<2048x64xf32>
    %broadcast_in_dim3A = vector.shape_cast %rsqrt3A : vector<2048xf32> to vector<2048x1xf32>
    %mul3A = vector.broadcast %broadcast_in_dim3A : vector<2048x1xf32> to vector<2048x64xf32>
    %mul3A_19 = arith.mulf %add3A_18, %mul3A : vector<2048x64xf32>
    %max3A = arith.constant 0.000000e+00 : f32
    %max3A_20 = vector.broadcast %max3A : f32 to vector<2048x64xf32>
    %max3A_21 = arith.maximumf %mul3A_19, %max3A_20 : vector<2048x64xf32>
    %get3A_22 = arith.constant 0 : index
    %get3A_23 = arith.constant 0 : index
    %get3A_24 = vector.load %arg6[%get3A_22, %get3A_23] : memref<64x32xf32, #tpu.memory_space<vmem>>, vector<64x32xf32>
    %get3A_25 = arith.constant 0 : index
    %get3A_26 = vector.load %arg7[%get3A_25] : memref<32xf32, #tpu.memory_space<vmem>>, vector<32xf32>
    %broadcast_in_dim3A_27 = vector.shape_cast %get3A_26 : vector<32xf32> to vector<1x32xf32>
    %mul3A_28 = vector.broadcast %broadcast_in_dim3A_27 : vector<1x32xf32> to vector<64x32xf32>
    %mul3A_29 = arith.mulf %get3A_24, %mul3A_28 : vector<64x32xf32>
    %reduce_sum3A = arith.constant dense<0.000000e+00> : vector<64xf32>
    %reduce_sum3A_30 = vector.multi_reduction <add>, %mul3A_29, %reduce_sum3A [1] : vector<64x32xf32> to vector<64xf32>
    %broadcast_in_dim3A_31 = vector.shape_cast %reduce_sum3A_30 : vector<64xf32> to vector<1x64xf32>
    %mul3A_32 = vector.broadcast %broadcast_in_dim3A_31 : vector<1x64xf32> to vector<2048x64xf32>
    %mul3A_33 = arith.mulf %max3A_21, %mul3A_32 : vector<2048x64xf32>
    %reduce_sum3A_34 = arith.constant dense<0.000000e+00> : vector<2048xf32>
    %reduce_sum3A_35 = vector.multi_reduction <add>, %mul3A_33, %reduce_sum3A_34 [1] : vector<2048x64xf32> to vector<2048xf32>
    %mul3A_36 = arith.mulf %rsqrt3A, %reduce_sum3A_35 : vector<2048xf32>
    %swap3A = arith.constant 0 : index
    %swap3A_37 = vector.load %arg8[%swap3A] : memref<2048xf32, #tpu.memory_space<vmem>>, vector<2048xf32>
    tpu.vector_store %arg8[%swap3A], %mul3A_36 {strides = array<i32>} : memref<2048xf32, #tpu.memory_space<vmem>>, vector<2048xf32>,
    return
  }
  func.func @transform_0(%arg0: i32) -> (i32, i32) {
    %c0_i32 = arith.constant 0 : i32
    %c0_i32_0 = arith.constant 0 : i32
    return %arg0, %c0_i32 : i32, i32
  }
  func.func @transform_1(%arg0: i32) -> (i32, i32) {
    %add3A = arith.constant 5 : i32
    %add3A_0 = arith.addi %arg0, %add3A : i32
    %c0_i32 = arith.constant 0 : i32
    %c0_i32_1 = arith.constant 0 : i32
    return %add3A_0, %c0_i32 : i32, i32
  }
  func.func @transform_2(%arg0: i32) -> (i32, i32) {
    %c0_i32 = arith.constant 0 : i32
    %c0_i32_0 = arith.constant 0 : i32
    return %arg0, %c0_i32 : i32, i32
  }
  func.func @transform_3(%arg0: i32) -> i32 {
    %c0_i32 = arith.constant 0 : i32
    return %arg0 : i32
  }
  func.func @transform_4(%arg0: i32) -> i32 {
    %add3A = arith.constant 5 : i32
    %add3A_0 = arith.addi %arg0, %add3A : i32
    %c0_i32 = arith.constant 0 : i32
    return %add3A_0 : i32
  }
  func.func @transform_5(%arg0: i32) -> (i32, i32) {
    %c0_i32 = arith.constant 0 : i32
    %c0_i32_0 = arith.constant 0 : i32
    %c0_i32_1 = arith.constant 0 : i32
    return %c0_i32, %c0_i32_0 : i32, i32
  }
  func.func @transform_6(%arg0: i32) -> i32 {
    %c0_i32 = arith.constant 0 : i32
    %c0_i32_0 = arith.constant 0 : i32
    return %c0_i32 : i32
  }
  func.func @transform_7(%arg0: i32) -> i32 {
    %c0_i32 = arith.constant 0 : i32
    return %arg0 : i32
  }
}

module attributes {stable_mosaic.version = 14 : i64} {
  func.func @body(%arg0: i32, %arg1: memref<10240xf32, #tpu.memory_space<vmem>>, %arg2: memref<10240xf32, #tpu.memory_space<vmem>>, %arg3: memref<10240xf32, #tpu.memory_space<vmem>>, %arg4: memref<10240xf32, #tpu.memory_space<vmem>>, %arg5: memref<10240xf32, #tpu.memory_space<vmem>>, %arg6: memref<10000xf32, #tpu.memory_space<vmem>>) attributes {dimension_semantics = [#tpu.dimension_semantics<arbitrary>], iteration_bounds = array<i64: 1>, scalar_prefetch = 0 : i64, scratch_operands = 0 : i64, tpu.core_type = #tpu.core_type<tc>, window_params = [{transform_indices = @transform_0, window_bounds = array<i64: 10240>}, {transform_indices = @transform_1, window_bounds = array<i64: 10240>}, {pipeline_mode = #tpu.pipeline_mode<synchronous>, transform_indices = @transform_2, window_bounds = array<i64: 10240>}, {transform_indices = @transform_3, window_bounds = array<i64: 10240>}, {transform_indices = @transform_4, window_bounds = array<i64: 10240>}, {pipeline_mode = #tpu.pipeline_mode<synchronous>, transform_indices = @transform_5, window_bounds = array<i64: 10000>}]} {
    %get3A = arith.constant 0 : index
    %get3A_0 = vector.load %arg4[%get3A] : memref<10240xf32, #tpu.memory_space<vmem>>, vector<10240xf32>
    %add3A = arith.constant 1.000000e+00 : f32
    %add3A_1 = vector.broadcast %add3A : f32 to vector<10240xf32>
    %add3A_2 = arith.addf %add3A_1, %get3A_0 : vector<10240xf32>
    %get3A_3 = arith.constant 0 : index
    %get3A_4 = vector.load %arg5[%get3A_3] : memref<10240xf32, #tpu.memory_space<vmem>>, vector<10240xf32>
    %add3A_5 = arith.addf %add3A_2, %get3A_4 : vector<10240xf32>
    %rsqrt3A = math.rsqrt %add3A_5 : vector<10240xf32>
    %get3A_6 = arith.constant 0 : index
    %get3A_7 = vector.load %arg1[%get3A_6] : memref<10240xf32, #tpu.memory_space<vmem>>, vector<10240xf32>
    %get3A_8 = arith.constant 0 : index
    %get3A_9 = vector.load %arg2[%get3A_8] : memref<10240xf32, #tpu.memory_space<vmem>>, vector<10240xf32>
    %add3A_10 = arith.addf %get3A_7, %get3A_9 : vector<10240xf32>
    %get3A_11 = arith.constant 0 : index
    %get3A_12 = vector.load %arg3[%get3A_11] : memref<10240xf32, #tpu.memory_space<vmem>>, vector<10240xf32>
    %add3A_13 = arith.addf %add3A_10, %get3A_12 : vector<10240xf32>
    %mul3A = arith.mulf %add3A_13, %rsqrt3A : vector<10240xf32>
    %logistic3A = arith.negf %mul3A : vector<10240xf32>
    %logistic3A_14 = math.exp %logistic3A : vector<10240xf32>
    %logistic3A_15 = arith.constant 1.000000e+00 : f32
    %logistic3A_16 = vector.broadcast %logistic3A_15 : f32 to vector<10240xf32>
    %logistic3A_17 = arith.addf %logistic3A_16, %logistic3A_14 : vector<10240xf32>
    %logistic3A_18 = arith.divf %logistic3A_16, %logistic3A_17 : vector<10240xf32>
    %slice3A = vector.extract_strided_slice %logistic3A_18 {offsets = [0], sizes = [10000], strides = [1]} : vector<10240xf32> to vector<10000xf32>
    %swap3A = arith.constant 0 : index
    %swap3A_19 = vector.load %arg6[%swap3A] : memref<10000xf32, #tpu.memory_space<vmem>>, vector<10000xf32>
    tpu.vector_store %arg6[%swap3A], %slice3A {strides = array<i32>} : memref<10000xf32, #tpu.memory_space<vmem>>, vector<10000xf32>,
    return
  }
  func.func @transform_0(%arg0: i32) -> i32 {
    %c0_i32 = arith.constant 0 : i32
    %c0_i32_0 = arith.constant 0 : i32
    return %c0_i32 : i32
  }
  func.func @transform_1(%arg0: i32) -> i32 {
    %c1_i32 = arith.constant 1 : i32
    %c0_i32 = arith.constant 0 : i32
    return %c1_i32 : i32
  }
  func.func @transform_2(%arg0: i32) -> i32 {
    %c0_i32 = arith.constant 0 : i32
    %c0_i32_0 = arith.constant 0 : i32
    return %c0_i32 : i32
  }
  func.func @transform_3(%arg0: i32) -> i32 {
    %c0_i32 = arith.constant 0 : i32
    %c0_i32_0 = arith.constant 0 : i32
    return %c0_i32 : i32
  }
  func.func @transform_4(%arg0: i32) -> i32 {
    %c1_i32 = arith.constant 1 : i32
    %c0_i32 = arith.constant 0 : i32
    return %c1_i32 : i32
  }
  func.func @transform_5(%arg0: i32) -> i32 {
    %c0_i32 = arith.constant 0 : i32
    %c0_i32_0 = arith.constant 0 : i32
    return %c0_i32 : i32
  }
}

</mosaic_0001>

<sc_bundles>
// kernel: kernel.11.cloned.1.call-start
scs
__scs_entry_jumppad:
0x0: {  	(pc) =	sbr.rel $0x88, $3  }
0x1: {  	(tag) =	ssettag $0x0;
	lr =	simm.s32 $0x1  }
0x2: {  	[smem:$0x3F9C] =	sst lr;
	_ =	strace $0xD0000000  }
0x3: {  	_ = 	snop  }
0x4: {  	_ = 	snop  }
0x5: {  	_ = 	snop  }
0x6: {  	_ = 	snop  }
0x7: {  	_ = 	snop  }
__scs_overlays_trampoline_lowered:
0x8: {  	[smem:$0x3FAB] =	sst s0  }
0x9: {  	[smem:$0x3FAC] =	sst s1  }
0xa: {  	[smem:$0x3FAD] =	sst s2  }
0xb: {  	[smem:$0x3FAE] =	sst s3  }
0xc: {  	[smem:$0x3FAF] =	sst s4  }
0xd: {  	[smem:$0x3FB0] =	sst s5  }
0xe: {  	[smem:$0x3FB1] =	sst s6  }
0xf: {  	[smem:$0x3FB2] =	sst s7  }
0x10: {  	[smem:$0x3FB3] =	sst s8  }
0x11: {  	[smem:$0x3FB4] =	sst s9;
	s0 =	simm.s32 @!p0 $0x0  }
0x12: {  	s1 =	sld [smem:$0x3F9A];
	s0 =	simm.s32 @p0 $0x1  }
0x13: {  	[smem:$0x3FB5] =	sst s0;
	s0 =	simm.s32 @!p1 $0x0  }
0x14: {  	s2 =	sld [smem:$0x3F99];
	s0 =	simm.s32 @p1 $0x1  }
0x15: {  	[smem:$0x3FB6] =	sst s0;
	s0 =	simm.s32 @!p2 $0x0  }
0x16: {  	s3 =	sld [smem:$0x3FDB];
	s0 =	simm.s32 @p2 $0x1  }
0x17: {  	s4 =	simm.s32 $0x1BF5;
	[smem:$0x3FB8] =	sst s0  }
0x18: {  	s0 =	sld [smem:$0x3F9B];
	_ =	swait.ge [sflag:s4], $0x0  }
0x19: {  	s7 =	sld [smem:$0x3F9C]  }
0x1a: {  	s8 =	sadd.s32 $0xFFFFE003, lr  }
0x1b: {  	s9 =	sadd.s32 $0xFFFFFEF7, lr;
	s5 =	simm.s32 $0xFFFFFFFF;
	p2 =	slt.u32 s8, $0xFFFFF086  }
0x1c: {  	p1 =	slt.u32 s9, $0xF7A;
	s5 =	simm.s32 @!p2 $0x0  }
0x1d: {  	s5 =	simm.s32 @p1 $0x1;
	p0 =	seq.s32 s7, s2  }
0x1e: {  	s7 =	smul.u32 @!p0 $0xF7A, s2;
	p2 =	seq.s32 @!p0 s5, $0x0  }
0x1f: {  	s9 =	smul.u32 $0xF7A, s1;
	s8 =	simm.s32 @!p0 $0x1BF5;
	p2 =	por !p2, p0  }
0x20: {  	[sflag:s8] =	ssyncset.s32 @!p0 $0xFFFFF086;
	s6 =	sadd.s32 @!p0 s3, s7;
	s7 =	simm.s32 @!p0 $0x108  }
0x21: {  	s3 =	sadd.s32 s3, s9;
	s6 =	sadd.s32 @!p0 $0x88, s6;
	s7 =	simm.s32 @p2 $0x1082  }
0x22: {  	[simem:s7], [sflag:s8] =	dma.local @!p0 [hbm:s6], $0xF7A  }
0x23: {  	s9 =	sor.u32 $0xD0000000, s2;
	s6 =	simm.s32 $0x108;
	_ =	swait.ge @!p0 [sflag:s8], $0x0  }
0x24: {  	s3 =	sadd.s32 $0x88, s3;
	s6 =	simm.s32 @!p1 $0x1082;
	[sflag:s4] =	ssyncset.s32 $0xFFFFF086  }
0x25: {  	[simem:s6], [sflag:s4] =	dma.local [hbm:s3], $0xF7A  }
0x26: {  	[smem:$0x3F9C] =	sst s1;
	(tag) =	ssettag s2;
	_ =	strace s9  }
0x27: {  	s1 =	sld [smem:$0x3FAC]  }
0x28: {  	s2 =	sld [smem:$0x3FAD]  }
0x29: {  	s4 =	sld [smem:$0x3FAF]  }
0x2a: {  	p0 =	seq.s32 s5, $0x0;
	s5 =	sld [smem:$0x3FB0]  }
0x2b: {  	s6 =	sld [smem:$0x3FB1]  }
0x2c: {  	s7 =	sld [smem:$0x3FB2]  }
0x2d: {  	s3 =	simm.s32 $0x108;
	s8 =	sld [smem:$0x3FB3]  }
0x2e: {  	s3 =	simm.s32 @!p0 $0x1082;
	s9 =	sld [smem:$0x3FB4]  }
0x2f: {  	lr =	sadd.s32 s0, s3;
	s0 =	sld [smem:$0x3FAB]  }
0x30: {  	s3 =	sld [smem:$0x3FAE]  }
0x31: {  	[smem:$0x3FB7] =	sst s10  }
0x32: {  	s10 =	sld [smem:$0x3FB5];
	_ =	sdelay $0x3  }
0x33: {  	p0 =	seq.s32 s10, $0x1;
	s10 =	sld [smem:$0x3FB7];
	_ =	sdelay $0x3  }
0x34: {  	[smem:$0x3FB7] =	sst s10  }
0x35: {  	s10 =	sld [smem:$0x3FB6];
	_ =	sdelay $0x3  }
0x36: {  	p1 =	seq.s32 s10, $0x1;
	s10 =	sld [smem:$0x3FB7];
	_ =	sdelay $0x3  }
0x37: {  	[smem:$0x3FB7] =	sst s10  }
0x38: {  	s10 =	sld [smem:$0x3FB8]  }
0x39: {  	_ = 	snop;
	(pc) =	sbr.ind lr, $3  }
0x3a: {  	_ = 	snop  }
0x3b: {  	_ = 	snop  }
0x3c: {  	p2 =	seq.s32 s10, $0x1;
	s10 =	sld [smem:$0x3FB7]  }
0x3d: {  	_ =	shalt  }
0x3e: {  	_ =	shalt  }
0x3f: {  	_ =	shalt  }
0x40: {  	_ =	shalt  }
0x41: {  	_ =	shalt  }
0x42: {  	_ =	shalt  }
0x43: {  	_ =	shalt  }
0x44: {  	_ =	shalt  }
0x45: {  	_ =	shalt  }
0x46: {  	_ =	shalt  }
0x47: {  	_ =	shalt  }
0x48: {  	_ =	shalt  }
0x49: {  	_ =	shalt  }
0x4a: {  	_ =	shalt  }
0x4b: {  	_ =	shalt  }
0x4c: {  	_ =	shalt  }
0x4d: {  	_ =	shalt  }
0x4e: {  	_ =	shalt  }
0x4f: {  	_ =	shalt  }
0x50: {  	_ =	shalt  }
0x51: {  	_ =	shalt  }
0x52: {  	_ =	shalt  }
0x53: {  	_ =	shalt  }
0x54: {  	_ =	shalt  }
0x55: {  	_ =	shalt  }
0x56: {  	_ =	shalt  }
0x57: {  	_ =	shalt  }
0x58: {  	_ =	shalt  }
0x59: {  	_ =	shalt  }
0x5a: {  	_ =	shalt  }
0x5b: {  	_ =	shalt  }
0x5c: {  	_ =	shalt  }
0x5d: {  	_ =	shalt  }
0x5e: {  	_ =	shalt  }
0x5f: {  	_ =	shalt  }
0x60: {  	_ =	shalt  }
0x61: {  	_ =	shalt  }
0x62: {  	_ =	shalt  }
0x63: {  	_ =	shalt  }
0x64: {  	_ =	shalt  }
0x65: {  	_ =	shalt  }
0x66: {  	_ =	shalt  }
0x67: {  	_ =	shalt  }
0x68: {  	_ =	shalt  }
0x69: {  	_ =	shalt  }
0x6a: {  	_ =	shalt  }
0x6b: {  	_ =	shalt  }
0x6c: {  	_ =	shalt  }
0x6d: {  	_ =	shalt  }
0x6e: {  	_ =	shalt  }
0x6f: {  	_ =	shalt  }
0x70: {  	_ =	shalt  }
0x71: {  	_ =	shalt  }
0x72: {  	_ =	shalt  }
0x73: {  	_ =	shalt  }
0x74: {  	_ =	shalt  }
0x75: {  	_ =	shalt  }
0x76: {  	_ =	shalt  }
0x77: {  	_ =	shalt  }
0x78: {  	_ =	shalt  }
0x79: {  	_ =	shalt  }
0x7a: {  	_ =	shalt  }
0x7b: {  	_ =	shalt  }
0x7c: {  	_ =	shalt  }
0x7d: {  	_ =	shalt  }
0x7e: {  	_ =	shalt  }
0x7f: {  	_ =	shalt  }
0x80: {  	_ =	shalt  }
0x81: {  	_ =	shalt  }
0x82: {  	_ =	shalt  }
0x83: {  	_ =	shalt  }
0x84: {  	_ =	shalt  }
0x85: {  	_ =	shalt  }
0x86: {  	_ =	shalt  }
0x87: {  	_ =	shalt  }
.Lfunc_end0:
.L_simem_size_0:
called_computation.1_lowered:
.L_overlay_start_0:
0x88: {  	s2 =	sld [smem:$0x3FD9]  }
0x89: {  	s3 =	sld [smem:$0x3FFE];
	_ =	sdelay $0x1  }
0x8a: {  	s1 =	srdreg.scid  }
0x8b: {  	s0 =	sand.u32 $0x1, s1  }
0x8c: {  	s16 =	sshll.u32 s0, $0xA;
	s2 =	sadd.s32 s3, s2  }
0x8d: {  	s2 =	sadd.s32 s2, s16  }
0x8e: {  	[smem:$0x3FC3] =	sst s2  }
0x8f: {  	_ = 	snop  }
0x90: {  	(tm) =	ssettm $0x1  }
0x91: {  	s17 =	sld [smem:$0x3FFB];
	_ =	sdelay $0x3  }
0x92: {  	_ =	strace s17  }
0x93: {  	s2 =	sld [smem:$0x3FFC];
	_ =	sdelay $0x3  }
0x94: {  	_ =	strace s2  }
0x95: {  	s2 =	sld [smem:$0x3FFD];
	_ =	sdelay $0x3  }
0x96: {  	_ =	strace s2  }
0x97: {  	_ =	strace $0x8FFFFFFF  }
0x98: {  	s18 =	sld [smem:$0x3FDB];
	_ =	sdelay $0x1  }
0x99: {  	s19 =	simm.s32 $_scs_section_size  }
0x9a: {  	s4 =	simm.s32 $_size__tile_overlayer_lowered;
	s5 =	simm.s32 $_tile_overlayer_lowered  }
0x9b: {  	s22 =	simm.s32 $0x1BFF;
	s21 =	sshll.u32 s5, $0x1;
	s2 =	sadd.s32 s19, s18  }
0x9c: {  	s6 =	simm.s32 $0x0;
	s20 =	sshll.u32 s4, $0x1;
	s4 =	sadd.s32 s21, s2  }
0x9d: {  	[timem:s6], [sflag:s22] =	dma.local [hbm:s4], s20  }
0x9e: {  	_ =	swait.ge [sflag:s22], s20  }
0x9f: {  	s3 =	ssub.s32 $0x0, s20;
	[sflag:s22] =	ssyncset.done $0x0  }
0xa0: {  	[sflag:s22] =	ssyncadd.s32 s3;
	_ =	sdelay $0x1  }
0xa1: {  	s23 =	simm.s32 $0x1B8B  }
0xa2: {  	_ =	swait.ge [sflag:s23], $0x1  }
0xa3: {  	[sflag:s23] =	ssyncset.done $0x0  }
0xa4: {  	s25 =	simm.s32 $0x1B8E;
	s24 =	sld [smem:$0x3FFE];
	[sflag:s23] =	ssyncadd.s32 $0xFFFFFFFF  }
0xa5: {  	s26 =	simm.s32 $execute0_lowered;
	[smem:$0x3FD2] =	sst s25  }
0xa6: {  	s4 =	sshll.u32 s26, $0x1;
	_ =	strace $0x80000049;
	[dreg:$0x1] =	wrdreg $0xFFFFFFFF  }
0xa7: {  	s28 =	simm.s32 $_size_execute0_lowered;
	s2 =	sadd.s32 s2, s4;
	[dreg:$0x0] =	wrdreg $0x0  }
0xa8: {  	s4 =	sshll.u32 s28, $0x1;
	[dreg:$0x2] =	wrdreg s2  }
0xa9: {  	[dreg:$0x3] =	wrdreg s4  }
0xaa: {  	[dreg:$0x4] =	wrdreg $0xC0  }
0xab: {  	_ =	task [dreg:s6], $0x5FFFF  }
0xac: {  	[dreg:$0x1] =	wrdreg $0xFFFFFFFF  }
0xad: {  	[dreg:$0x0] =	wrdreg $0x60  }
0xae: {  	[dreg:$0x2] =	wrdreg s24  }
0xaf: {  	[dreg:$0x3] =	wrdreg $0x7F000  }
0xb0: {  	[dreg:$0x4] =	wrdreg $0x9  }
0xb1: {  	_ =	task.clear_ibuf [dreg:s6], $0x5FFFF;
	_ =	strace $0x90000049  }
0xb2: {  	s29 =	simm.s32 $0x9;
	_ =	strace $0x8000004B  }
0xb3: {  	_ =	swait.ge [sflag:s29], $0x1  }
0xb4: {  	[sflag:s29] =	ssyncadd.s32 $0xFFFFFFFF  }
0xb5: {  	_ =	strace $0x9000004B  }
0xb6: {  	_ =	sfence  }
0xb7: {  	s30 =	sld [smem:$0x0];
	_ =	sdelay $0x2  }
0xb8: {  	s31 =	sshll.u32 s1, $0xD;
	s1 =	sshrl.u32 s1, $0x2  }
0xb9: {  	s3 =	sand.u32 $0x4000, s31;
	s1 =	sadd.s32 s1, s30  }
0xba: {  	s0 =	sor.u32 s3, s0;
	s1 =	sshll.u32 s1, $0x11  }
0xbb: {  	s0 =	sor.u32 s1, s0  }
0xbc: {  	s0 =	sadd.s32 $0x8F2B, s0  }
0xbd: {  	[sflag:s0] =	ssyncadd.remote.s32 $0x1  }
0xbe: {  	_ =	sfence.sel $0xFFFF  }
0xbf: {  	[dreg:$0x0] =	wrdreg $0xFFFFFFFF;
	(pc) =	sbr.abs _section_cstart, $3  }
0xc0: {  	[dreg:$0x1] =	wrdreg $0xFFFFFFFF  }
0xc1: {  	_ =	task.clear_ibuf [dreg:s6], $0x2FFFF;
	_ =	strace $0x9FFFFFFF  }
0xc2: {  	(tm) =	ssettm $0x7FFFFFFF  }
0xc3: {  	_ =	shalt  }
tec
execute0_lowered:
.L_overlay_start_1:
0x0: {  	(tag) =	ssettag $0x1  }
0x1: {  	s6 =	rddreg [dreg:$0x0]  }
0x2: {  	s1 =	rddreg [dreg:$0x1];
	s3 =	simm.s32 $0x0  }
0x3: {  	s4 =	srdreg.scid;
	s0 =	stileid.u32;
	s16 =	simm.s32 $0x80  }
0x4: {  	s17 =	simm.s32 $0x4F00;
	s19 =	simm.s32 $0x5F00;
	s20 =	simm.s32 $0x6F00  }
0x5: {  	s21 =	simm.s32 $0x1;
	s28 =	simm.s32 $0x2680;
	s29 =	simm.s32 $0x0  }
0x6: {  	[smem:$0x7FF] =	sst s3;
	s9 =	sadd.s32 $0x2200, s6;
	s7 =	sand.u32 $0x1, s4  }
0x7: {  	s8 =	smul.u32 $0xA00, s0;
	s4 =	sadd.s32 $0x17200, s6;
	s5 =	sadd.s32 $0x16800, s6  }
0x8: {  	s22 =	smul.u32 $0x14000, s0;
	s30 =	sshll.u32 s0, $0x6;
	s31 =	sshll.u32 s0, $0x4  }
0x9: {  	s10 =	smul.u32 $0xA000, s7;
	s11 =	sshll.u32 s7, $0x4;
	s7 =	ssub.s32 $0x2, s7  }
0xa: {  	_ =	strace $0x8000004A;
	s13 =	sor.u32 s0, s11;
	s24 =	sshrl.u32 s7, $0x1  }
0xb: {  	s25 =	sshrl.u32 s22, $0x2;
	s22 =	simm.s32 $0x2;
	s8 =	sadd.s32 s8, s10  }
0xc: {  	s23 =	smul.u32 $0x2700, s13;
	s14 =	ssub.s32 s7, s24;
	s15 =	sadd.s32 s25, s1  }
0xd: {  	s7 =	sor.u32 $0x1C04, s30;
	s10 =	sadd.s32 s31, s9;
	p0 =	sgt.u32 s13, $0x3  }
0xe: {  	s24 =	simm.s32 $0x4D80;
	s25 =	simm.s32 $0x2580;
	s12 =	sadd.s32 s8, s6  }
0xf: {  	s13 =	sshrl.u32 s15, $0x3;
	s15 =	simm.s32 $0x2700;
	s26 =	sshrl.u32 s23, $0x3  }
0x10: {  	s11 =	sadd.s32 $0x21200, s12;
	s12 =	smax.u32 s14, $0x1;
	s14 =	simm.s32 $0x4  }
0x11: {  	s23 =	simm.s32 $0x3;
	s6 =	sadd.s32 s9, s26;
	s9 =	sadd.s32 $0x9C00, s10  }
0x12: {  	s10 =	sadd.s32 $0x13840, s10;
	s26 =	simm.s32 $0x2600;
	s8 =	sadd.s32 $0x9C40, s6  }
.LBB2_1:
0x13: {  	[spmem:s13], [sflag:s7] =	dma.local [hbm:s5], $0xA00  }
0x14: {  	_ =	swait.ge [sflag:s14], $0xA00  }
0x15: {  	[sflag:s14] =	ssyncset.done $0x0  }
0x16: {  	[sflag:s14] =	ssyncadd.s32 $0xFFFFF600  }
0x17: {  	[tilespmem:s3], [sflag:$0x4] =	stream.linear.gather [hbm4b:s6+s3], $0x2700, $0x38;
	[tilespmem:$0xCF00] =	vst v63  }
0x18: {  	_ =	swait.ge [sflag:s14], $0x2700  }
0x19: {  	[sflag:s14] =	ssyncset.done $0x0  }
0x1a: {  	[sflag:s14] =	ssyncadd.s32 $0xFFFFD900  }
0x1b: {  	[tilespmem:s15], [sflag:$0x4] =	stream.linear.gather [hbm4b:s8+s3], $0x2700, $0x38;
	[tilespmem:$0xCF00] =	vst v63  }
0x1c: {  	_ =	swait.ge [sflag:s14], $0x2700  }
0x1d: {  	[sflag:s14] =	ssyncset.done $0x0  }
0x1e: {  	s30 =	simm.s32 @!p0 $0x0;
	s31 =	simm.s32 @!p0 $0x4E00;
	[sflag:s14] =	ssyncadd.s32 $0xFFFFD900  }
0x1f: {  	[tilespmem:s31], [sflag:$0x4] =	stream.linear.gather @!p0 [hbm4b:s9+s30], $0x80, $0x38;
	[tilespmem:$0xCF00] =	vst v63  }
0x20: {  	s31 =	simm.s32 @!p0 $0x4  }
0x21: {  	_ =	swait.ge @!p0 [sflag:s31], $0x80  }
0x22: {  	[sflag:s31] =	ssyncset.done @!p0 $0x0  }
0x23: {  	s0 =	simm.s32 @!p0 $0x4E80;
	[sflag:s31] =	ssyncadd.s32 @!p0 $0xFFFFFF80  }
0x24: {  	[tilespmem:s0], [sflag:$0x4] =	stream.linear.gather @!p0 [hbm4b:s10+s30], $0x80, $0x38;
	[tilespmem:$0xCF00] =	vst v63  }
0x25: {  	_ =	swait.ge @!p0 [sflag:s31], $0x80  }
0x26: {  	[sflag:s31] =	ssyncset.done @!p0 $0x0  }
0x27: {  	[sflag:s31] =	ssyncadd.s32 @!p0 $0xFFFFFF80  }
0x28: {  	[bflag:$0x0] =	sbarrier.arrive $0xFFFF  }
0x29: {  	[tilespmem:s17], [sflag:$0x1] =	stream.indirect.gather [hbm4b:s4+s16], $0x20, s15, s16, $0xb8;
	[tilespmem:$0xCF00] =	vst v63  }
0x2a: {  	s18 =	simm.s32 $0x2780  }
0x2b: {  	[tilespmem:s19], [sflag:$0x2] =	stream.indirect.gather [hbm4b:s4+s16], $0x20, s18, s16, $0xb8;
	[tilespmem:$0xCF00] =	vst v63  }
0x2c: {  	s2 =	simm.s32 $0x2800  }
0x2d: {  	[tilespmem:s20], [sflag:$0x3] =	stream.indirect.gather [hbm4b:s4+s16], $0x20, s2, s16, $0xb8;
	[tilespmem:$0xCF00] =	vst v63  }
0x2e: {  	_ =	swait.ge [sflag:s21], $0x1000  }
0x2f: {  	[sflag:s21] =	ssyncset.done $0x0  }
0x30: {  	s18 =	simm.s32 $0x0;
	[sflag:s21] =	ssyncadd.s32 $0xFFFFF000  }
0x31: {  	[spmem:s1] =	stream.indirect.scatter.add.bf16 [tilespmem:s17], [sflag:$0x4], $0x20, s18, s16, $0xb8;
	[tilespmem:$0xCF00] =	vst v63  }
0x32: {  	_ =	swait.ge [sflag:s14], $0x1000  }
0x33: {  	[sflag:s14] =	ssyncset.done $0x0  }
0x34: {  	s2 =	simm.s32 $0x2880;
	[sflag:s14] =	ssyncadd.s32 $0xFFFFF000  }
0x35: {  	[tilespmem:s17], [sflag:$0x1] =	stream.indirect.gather [hbm4b:s4+s16], $0x20, s2, s16, $0xb8;
	[tilespmem:$0xCF00] =	vst v63  }
0x36: {  	_ =	swait.ge [sflag:s22], $0x1000  }
0x37: {  	[sflag:s22] =	ssyncset.done $0x0  }
0x38: {  	s18 =	simm.s32 $0x80;
	[sflag:s22] =	ssyncadd.s32 $0xFFFFF000  }
0x39: {  	[spmem:s1] =	stream.indirect.scatter.add.bf16 [tilespmem:s19], [sflag:$0x4], $0x20, s18, s16, $0xb8;
	[tilespmem:$0xCF00] =	vst v63  }
0x3a: {  	_ =	swait.ge [sflag:s14], $0x1000  }
0x3b: {  	[sflag:s14] =	ssyncset.done $0x0  }
0x3c: {  	s2 =	simm.s32 $0x2900;
	[sflag:s14] =	ssyncadd.s32 $0xFFFFF000  }
0x3d: {  	[tilespmem:s19], [sflag:$0x2] =	stream.indirect.gather [hbm4b:s4+s16], $0x20, s2, s16, $0xb8;
	[tilespmem:$0xCF00] =	vst v63  }
0x3e: {  	_ =	swait.ge [sflag:s23], $0x1000  }
0x3f: {  	[sflag:s23] =	ssyncset.done $0x0  }
0x40: {  	s18 =	simm.s32 $0x100;
	[sflag:s23] =	ssyncadd.s32 $0xFFFFF000  }
0x41: {  	[spmem:s1] =	stream.indirect.scatter.add.bf16 [tilespmem:s20], [sflag:$0x4], $0x20, s18, s16, $0xb8;
	[tilespmem:$0xCF00] =	vst v63  }
0x42: {  	_ =	swait.ge [sflag:s14], $0x1000  }
0x43: {  	s30 =	simm.s32 $0x180;
	s31 =	simm.s32 $0xC00;
	[sflag:s14] =	ssyncset.done $0x0  }
.LBB2_2:
0x44: {  	s0 =	sadd.s32 $0x2800, s30  }
0x45: {  	[sflag:s14] =	ssyncadd.s32 $0xFFFFF000;
	s2 =	smov.u32 s31;
	s18 =	sadd.s32 $0x600, s31  }
0x46: {  	[tilespmem:s20], [sflag:$0x3] =	stream.indirect.gather [hbm4b:s4+s16], $0x20, s0, s16, $0xb8;
	[tilespmem:$0xCF00] =	vst v63  }
0x47: {  	p1 =	sne.s32 s31, $0x9000;
	_ =	swait.ge [sflag:s21], $0x1000  }
0x48: {  	[sflag:s21] =	ssyncset.done $0x0  }
0x49: {  	[sflag:s21] =	ssyncadd.s32 $0xFFFFF000  }
0x4a: {  	[spmem:s1] =	stream.indirect.scatter.add.bf16 [tilespmem:s17], [sflag:$0x4], $0x20, s30, s16, $0xb8;
	[tilespmem:$0xCF00] =	vst v63  }
0x4b: {  	_ =	swait.ge [sflag:s14], $0x1000  }
0x4c: {  	[sflag:s14] =	ssyncset.done $0x0  }
0x4d: {  	s0 =	sadd.s32 $0x2880, s30;
	[sflag:s14] =	ssyncadd.s32 $0xFFFFF000  }
0x4e: {  	[tilespmem:s17], [sflag:$0x1] =	stream.indirect.gather [hbm4b:s4+s16], $0x20, s0, s16, $0xb8;
	[tilespmem:$0xCF00] =	vst v63  }
0x4f: {  	_ =	swait.ge [sflag:s22], $0x1000  }
0x50: {  	[sflag:s22] =	ssyncset.done $0x0  }
0x51: {  	s0 =	sadd.s32 $0x80, s30;
	[sflag:s22] =	ssyncadd.s32 $0xFFFFF000  }
0x52: {  	[spmem:s1] =	stream.indirect.scatter.add.bf16 [tilespmem:s19], [sflag:$0x4], $0x20, s0, s16, $0xb8;
	[tilespmem:$0xCF00] =	vst v63  }
0x53: {  	_ =	swait.ge [sflag:s14], $0x1000  }
0x54: {  	[sflag:s14] =	ssyncset.done $0x0  }
0x55: {  	s0 =	sadd.s32 $0x2900, s30;
	[sflag:s14] =	ssyncadd.s32 $0xFFFFF000  }
0x56: {  	[tilespmem:s19], [sflag:$0x2] =	stream.indirect.gather [hbm4b:s4+s16], $0x20, s0, s16, $0xb8;
	[tilespmem:$0xCF00] =	vst v63  }
0x57: {  	_ =	swait.ge [sflag:s23], $0x1000  }
.Ltmp0:
0x58: {  	[sflag:s23] =	ssyncset.done $0x0;
	(pc) =	sbr.rel @p1 .LBB2_2-.Ltmp0, $4  }
0x59: {  	s0 =	sadd.s32 $0x100, s30;
	[sflag:s23] =	ssyncadd.s32 $0xFFFFF000  }
0x5a: {  	[spmem:s1] =	stream.indirect.scatter.add.bf16 [tilespmem:s20], [sflag:$0x4], $0x20, s0, s16, $0xb8;
	[tilespmem:$0xCF00] =	vst v63  }
0x5b: {  	_ =	swait.ge [sflag:s14], $0x1000  }
0x5c: {  	s31 =	smov.u32 s18;
	s30 =	sshra.s32 s2, $0x2;
	[sflag:s14] =	ssyncset.done $0x0  }
0x5d: {  	s0 =	sadd.s32 $0x2800, s30;
	[sflag:s14] =	ssyncadd.s32 $0xFFFFF000  }
0x5e: {  	[tilespmem:s20], [sflag:$0x3] =	stream.indirect.gather [hbm4b:s4+s16], $0x20, s0, s16, $0xb8;
	[tilespmem:$0xCF00] =	vst v63  }
0x5f: {  	_ =	swait.ge [sflag:s21], $0x1000  }
0x60: {  	[sflag:s21] =	ssyncset.done $0x0  }
0x61: {  	[sflag:s21] =	ssyncadd.s32 $0xFFFFF000  }
0x62: {  	[spmem:s1] =	stream.indirect.scatter.add.bf16 [tilespmem:s17], [sflag:$0x4], $0x20, s30, s16, $0xb8;
	[tilespmem:$0xCF00] =	vst v63  }
0x63: {  	_ =	swait.ge [sflag:s14], $0x1000  }
0x64: {  	[sflag:s14] =	ssyncset.done $0x0  }
0x65: {  	s31 =	sadd.s32 $0x2880, s30;
	[sflag:s14] =	ssyncadd.s32 $0xFFFFF000  }
0x66: {  	[tilespmem:s17], [sflag:$0x1] =	stream.indirect.gather [hbm4b:s4+s16], $0x20, s31, s16, $0xb8;
	[tilespmem:$0xCF00] =	vst v63  }
0x67: {  	_ =	swait.ge [sflag:s22], $0x1000  }
0x68: {  	[sflag:s22] =	ssyncset.done $0x0  }
0x69: {  	s2 =	sadd.s32 $0x80, s30;
	[sflag:s22] =	ssyncadd.s32 $0xFFFFF000  }
0x6a: {  	[spmem:s1] =	stream.indirect.scatter.add.bf16 [tilespmem:s19], [sflag:$0x4], $0x20, s2, s16, $0xb8;
	[tilespmem:$0xCF00] =	vst v63  }
0x6b: {  	_ =	swait.ge [sflag:s14], $0x1000  }
0x6c: {  	[sflag:s14] =	ssyncset.done $0x0  }
0x6d: {  	s18 =	sadd.s32 $0x2900, s30;
	[sflag:s14] =	ssyncadd.s32 $0xFFFFF000  }
0x6e: {  	[tilespmem:s19], [sflag:$0x2] =	stream.indirect.gather [hbm4b:s4+s16], $0x20, s18, s16, $0xb8;
	[tilespmem:$0xCF00] =	vst v63  }
0x6f: {  	_ =	swait.ge [sflag:s23], $0x1000  }
0x70: {  	[sflag:s23] =	ssyncset.done $0x0  }
0x71: {  	s31 =	sadd.s32 $0x100, s30;
	[sflag:s23] =	ssyncadd.s32 $0xFFFFF000  }
0x72: {  	[spmem:s1] =	stream.indirect.scatter.add.bf16 [tilespmem:s20], [sflag:$0x4], $0x20, s31, s16, $0xb8;
	[tilespmem:$0xCF00] =	vst v63  }
0x73: {  	_ =	swait.ge [sflag:s14], $0x1000  }
0x74: {  	[sflag:s14] =	ssyncset.done $0x0  }
0x75: {  	[sflag:s14] =	ssyncadd.s32 $0xFFFFF000  }
0x76: {  	[tilespmem:s20], [sflag:$0x3] =	stream.indirect.gather [hbm4b:s4+s16], $0x20, s24, s16, $0xb8;
	[tilespmem:$0xCF00] =	vst v63  }
0x77: {  	_ =	swait.ge [sflag:s21], $0x1000  }
0x78: {  	[sflag:s21] =	ssyncset.done $0x0  }
0x79: {  	[sflag:s21] =	ssyncadd.s32 $0xFFFFF000  }
0x7a: {  	[spmem:s1] =	stream.indirect.scatter.add.bf16 [tilespmem:s17], [sflag:$0x4], $0x20, s25, s16, $0xb8;
	[tilespmem:$0xCF00] =	vst v63  }
0x7b: {  	_ =	swait.ge [sflag:s14], $0x1000  }
0x7c: {  	[sflag:s14] =	ssyncset.done $0x0  }
0x7d: {  	[sflag:s14] =	ssyncadd.s32 $0xFFFFF000  }
0x7e: {  	_ =	swait.ge [sflag:s22], $0x1000  }
0x7f: {  	[sflag:s22] =	ssyncset.done $0x0  }
0x80: {  	[sflag:s22] =	ssyncadd.s32 $0xFFFFF000  }
0x81: {  	[spmem:s1] =	stream.indirect.scatter.add.bf16 [tilespmem:s19], [sflag:$0x4], $0x20, s26, s16, $0xb8;
	[tilespmem:$0xCF00] =	vst v63  }
0x82: {  	_ =	swait.ge [sflag:s14], $0x1000  }
0x83: {  	[sflag:s14] =	ssyncset.done $0x0  }
0x84: {  	[sflag:s14] =	ssyncadd.s32 $0xFFFFF000  }
0x85: {  	_ =	swait.ge [sflag:s23], $0x1000  }
0x86: {  	[sflag:s23] =	ssyncset.done $0x0  }
0x87: {  	[sflag:s23] =	ssyncadd.s32 $0xFFFFF000  }
0x88: {  	[spmem:s1] =	stream.indirect.scatter.add.bf16 [tilespmem:s20], [sflag:$0x4], $0x20, s28, s16, $0xb8;
	[tilespmem:$0xCF00] =	vst v63  }
0x89: {  	_ =	swait.ge [sflag:s14], $0x1000  }
0x8a: {  	s0 =	simm.s32 @!p0 $0x80;
	[sflag:s14] =	ssyncset.done $0x0  }
0x8b: {  	s2 =	simm.s32 @!p0 $0x4E80;
	s18 =	simm.s32 @!p0 $0x4F00;
	[sflag:s14] =	ssyncadd.s32 $0xFFFFF000  }
0x8c: {  	[tilespmem:s18], [sflag:$0x1] =	stream.indirect.gather @!p0 [hbm4b:s4+s0], $0x20, s2, s0, $0xb8;
	[tilespmem:$0xCF00] =	vst v63  }
0x8d: {  	s2 =	simm.s32 @!p0 $0x1  }
0x8e: {  	_ =	swait.ge @!p0 [sflag:s2], $0x1000  }
0x8f: {  	[sflag:s2] =	ssyncset.done @!p0 $0x0  }
0x90: {  	[sflag:s2] =	ssyncadd.s32 @!p0 $0xFFFFF000;
	s2 =	simm.s32 @!p0 $0x4E00  }
0x91: {  	[spmem:s1] =	stream.indirect.scatter.add.bf16 @!p0 [tilespmem:s18], [sflag:$0x4], $0x20, s2, s0, $0xb8;
	[tilespmem:$0xCF00] =	vst v63  }
0x92: {  	s0 =	simm.s32 @!p0 $0x4  }
0x93: {  	_ =	swait.ge @!p0 [sflag:s0], $0x1000  }
0x94: {  	s29 =	sadd.s32 $0x1, s29;
	[sflag:s0] =	ssyncset.done @!p0 $0x0  }
0x95: {  	p1 =	sne.s32 s29, s12;
	[sflag:s0] =	ssyncadd.s32 @!p0 $0xFFFFF000  }
.Ltmp1:
0x96: {  	[bflag:$0x0] =	sbarrier.arrive $0xFFFF;
	(pc) =	sbr.rel @p1 .LBB2_1-.Ltmp1, $4  }
0x97: {  	[hbm:s11], [sflag:s7] =	dma.local [spmem:s13], $0xA00  }
0x98: {  	_ =	swait.ge [sflag:s14], $0xA00  }
0x99: {  	[sflag:s14] =	ssyncset.done $0x0  }
0x9a: {  	[sflag:s14] =	ssyncadd.s32 $0xFFFFF600  }
0x9b: {  	_ =	sfence.sel $0x180000  }
0x9c: {  	[bflag:$0x0] =	sbarrier.arrive $0xFFFF  }
0x9d: {  	_ =	strace $0x9000004A  }
0x9e: {  	s0 =	stileid.u32;
	[bflag:$0x2] =	sbarrier.arrive $0xFFFF  }
0x9f: {  	p0 =	sne.s32 s0, $0x0;
	s0 =	rddreg [dreg:$0x2]  }
0xa0: {  	s0 =	sadd.s32 @!p0 $0x100000, s0  }
0xa1: {  	[sflag:s0] =	ssyncadd.tile.s32 @!p0 $0x1;
	_ =	shalt  }
.Lfunc_end2:
_tile_overlayer_lowered:
.L_overlay_start_2:
0xa2: {  	(tag) =	ssettag $0x2  }
0xa3: {  	s0 =	rddreg [dreg:$0x0];
	s2 =	stileid.u32  }
0xa4: {  	s1 =	rddreg [dreg:$0x1];
	p0 =	sne.s32 s2, $0x0  }
0xa5: {  	s3 =	rddreg [dreg:$0x2];
	[bflag:$0x3] =	sbarrier.arrive $0xFFFF;
	s2 =	simm.s32 @!p0 $0x1C04  }
0xa6: {  	[timem:s3], [sflag:s2] =	dma.local @!p0 [hbm:s0], s1  }
0xa7: {  	s0 =	simm.s32 @!p0 $0x4  }
0xa8: {  	_ =	swait.ge @!p0 [sflag:s0], s1  }
0xa9: {  	s1 =	ssub.s32 @!p0 $0x0, s1;
	[sflag:s0] =	ssyncset.done @!p0 $0x0  }
0xaa: {  	[sflag:s0] =	ssyncadd.s32 @!p0 s1  }
0xab: {  	[bflag:$0x3] =	sbarrier.arrive $0xFFFF  }
0xac: {  	_ =	shalt  }

// kernel: kernel.14.cloned.1.call-start
scs
__scs_entry_jumppad:
0x0: {  	(pc) =	sbr.rel $0x88, $3  }
0x1: {  	(tag) =	ssettag $0x0;
	lr =	simm.s32 $0x1  }
0x2: {  	[smem:$0x3F9C] =	sst lr;
	_ =	strace $0xD0000000  }
0x3: {  	_ = 	snop  }
0x4: {  	_ = 	snop  }
0x5: {  	_ = 	snop  }
0x6: {  	_ = 	snop  }
0x7: {  	_ = 	snop  }
__scs_overlays_trampoline_lowered:
0x8: {  	[smem:$0x3FAB] =	sst s0  }
0x9: {  	[smem:$0x3FAC] =	sst s1  }
0xa: {  	[smem:$0x3FAD] =	sst s2  }
0xb: {  	[smem:$0x3FAE] =	sst s3  }
0xc: {  	[smem:$0x3FAF] =	sst s4  }
0xd: {  	[smem:$0x3FB0] =	sst s5  }
0xe: {  	[smem:$0x3FB1] =	sst s6  }
0xf: {  	[smem:$0x3FB2] =	sst s7  }
0x10: {  	[smem:$0x3FB3] =	sst s8  }
0x11: {  	[smem:$0x3FB4] =	sst s9;
	s0 =	simm.s32 @!p0 $0x0  }
0x12: {  	s1 =	sld [smem:$0x3F9A];
	s0 =	simm.s32 @p0 $0x1  }
0x13: {  	[smem:$0x3FB5] =	sst s0;
	s0 =	simm.s32 @!p1 $0x0  }
0x14: {  	s2 =	sld [smem:$0x3F99];
	s0 =	simm.s32 @p1 $0x1  }
0x15: {  	[smem:$0x3FB6] =	sst s0;
	s0 =	simm.s32 @!p2 $0x0  }
0x16: {  	s3 =	sld [smem:$0x3FDB];
	s0 =	simm.s32 @p2 $0x1  }
0x17: {  	s4 =	simm.s32 $0x1BF5;
	[smem:$0x3FB8] =	sst s0  }
0x18: {  	s0 =	sld [smem:$0x3F9B];
	_ =	swait.ge [sflag:s4], $0x0  }
0x19: {  	s7 =	sld [smem:$0x3F9C]  }
0x1a: {  	s8 =	sadd.s32 $0xFFFFE003, lr  }
0x1b: {  	s9 =	sadd.s32 $0xFFFFFEF7, lr;
	s5 =	simm.s32 $0xFFFFFFFF;
	p2 =	slt.u32 s8, $0xFFFFF086  }
0x1c: {  	p1 =	slt.u32 s9, $0xF7A;
	s5 =	simm.s32 @!p2 $0x0  }
0x1d: {  	s5 =	simm.s32 @p1 $0x1;
	p0 =	seq.s32 s7, s2  }
0x1e: {  	s7 =	smul.u32 @!p0 $0xF7A, s2;
	p2 =	seq.s32 @!p0 s5, $0x0  }
0x1f: {  	s9 =	smul.u32 $0xF7A, s1;
	s8 =	simm.s32 @!p0 $0x1BF5;
	p2 =	por !p2, p0  }
0x20: {  	[sflag:s8] =	ssyncset.s32 @!p0 $0xFFFFF086;
	s6 =	sadd.s32 @!p0 s3, s7;
	s7 =	simm.s32 @!p0 $0x108  }
0x21: {  	s3 =	sadd.s32 s3, s9;
	s6 =	sadd.s32 @!p0 $0x88, s6;
	s7 =	simm.s32 @p2 $0x1082  }
0x22: {  	[simem:s7], [sflag:s8] =	dma.local @!p0 [hbm:s6], $0xF7A  }
0x23: {  	s9 =	sor.u32 $0xD0000000, s2;
	s6 =	simm.s32 $0x108;
	_ =	swait.ge @!p0 [sflag:s8], $0x0  }
0x24: {  	s3 =	sadd.s32 $0x88, s3;
	s6 =	simm.s32 @!p1 $0x1082;
	[sflag:s4] =	ssyncset.s32 $0xFFFFF086  }
0x25: {  	[simem:s6], [sflag:s4] =	dma.local [hbm:s3], $0xF7A  }
0x26: {  	[smem:$0x3F9C] =	sst s1;
	(tag) =	ssettag s2;
	_ =	strace s9  }
0x27: {  	s1 =	sld [smem:$0x3FAC]  }
0x28: {  	s2 =	sld [smem:$0x3FAD]  }
0x29: {  	s4 =	sld [smem:$0x3FAF]  }
0x2a: {  	p0 =	seq.s32 s5, $0x0;
	s5 =	sld [smem:$0x3FB0]  }
0x2b: {  	s6 =	sld [smem:$0x3FB1]  }
0x2c: {  	s7 =	sld [smem:$0x3FB2]  }
0x2d: {  	s3 =	simm.s32 $0x108;
	s8 =	sld [smem:$0x3FB3]  }
0x2e: {  	s3 =	simm.s32 @!p0 $0x1082;
	s9 =	sld [smem:$0x3FB4]  }
0x2f: {  	lr =	sadd.s32 s0, s3;
	s0 =	sld [smem:$0x3FAB]  }
0x30: {  	s3 =	sld [smem:$0x3FAE]  }
0x31: {  	[smem:$0x3FB7] =	sst s10  }
0x32: {  	s10 =	sld [smem:$0x3FB5];
	_ =	sdelay $0x3  }
0x33: {  	p0 =	seq.s32 s10, $0x1;
	s10 =	sld [smem:$0x3FB7];
	_ =	sdelay $0x3  }
0x34: {  	[smem:$0x3FB7] =	sst s10  }
0x35: {  	s10 =	sld [smem:$0x3FB6];
	_ =	sdelay $0x3  }
0x36: {  	p1 =	seq.s32 s10, $0x1;
	s10 =	sld [smem:$0x3FB7];
	_ =	sdelay $0x3  }
0x37: {  	[smem:$0x3FB7] =	sst s10  }
0x38: {  	s10 =	sld [smem:$0x3FB8]  }
0x39: {  	_ = 	snop;
	(pc) =	sbr.ind lr, $3  }
0x3a: {  	_ = 	snop  }
0x3b: {  	_ = 	snop  }
0x3c: {  	p2 =	seq.s32 s10, $0x1;
	s10 =	sld [smem:$0x3FB7]  }
0x3d: {  	_ =	shalt  }
0x3e: {  	_ =	shalt  }
0x3f: {  	_ =	shalt  }
0x40: {  	_ =	shalt  }
0x41: {  	_ =	shalt  }
0x42: {  	_ =	shalt  }
0x43: {  	_ =	shalt  }
0x44: {  	_ =	shalt  }
0x45: {  	_ =	shalt  }
0x46: {  	_ =	shalt  }
0x47: {  	_ =	shalt  }
0x48: {  	_ =	shalt  }
0x49: {  	_ =	shalt  }
0x4a: {  	_ =	shalt  }
0x4b: {  	_ =	shalt  }
0x4c: {  	_ =	shalt  }
0x4d: {  	_ =	shalt  }
0x4e: {  	_ =	shalt  }
0x4f: {  	_ =	shalt  }
0x50: {  	_ =	shalt  }
0x51: {  	_ =	shalt  }
0x52: {  	_ =	shalt  }
0x53: {  	_ =	shalt  }
0x54: {  	_ =	shalt  }
0x55: {  	_ =	shalt  }
0x56: {  	_ =	shalt  }
0x57: {  	_ =	shalt  }
0x58: {  	_ =	shalt  }
0x59: {  	_ =	shalt  }
0x5a: {  	_ =	shalt  }
0x5b: {  	_ =	shalt  }
0x5c: {  	_ =	shalt  }
0x5d: {  	_ =	shalt  }
0x5e: {  	_ =	shalt  }
0x5f: {  	_ =	shalt  }
0x60: {  	_ =	shalt  }
0x61: {  	_ =	shalt  }
0x62: {  	_ =	shalt  }
0x63: {  	_ =	shalt  }
0x64: {  	_ =	shalt  }
0x65: {  	_ =	shalt  }
0x66: {  	_ =	shalt  }
0x67: {  	_ =	shalt  }
0x68: {  	_ =	shalt  }
0x69: {  	_ =	shalt  }
0x6a: {  	_ =	shalt  }
0x6b: {  	_ =	shalt  }
0x6c: {  	_ =	shalt  }
0x6d: {  	_ =	shalt  }
0x6e: {  	_ =	shalt  }
0x6f: {  	_ =	shalt  }
0x70: {  	_ =	shalt  }
0x71: {  	_ =	shalt  }
0x72: {  	_ =	shalt  }
0x73: {  	_ =	shalt  }
0x74: {  	_ =	shalt  }
0x75: {  	_ =	shalt  }
0x76: {  	_ =	shalt  }
0x77: {  	_ =	shalt  }
0x78: {  	_ =	shalt  }
0x79: {  	_ =	shalt  }
0x7a: {  	_ =	shalt  }
0x7b: {  	_ =	shalt  }
0x7c: {  	_ =	shalt  }
0x7d: {  	_ =	shalt  }
0x7e: {  	_ =	shalt  }
0x7f: {  	_ =	shalt  }
0x80: {  	_ =	shalt  }
0x81: {  	_ =	shalt  }
0x82: {  	_ =	shalt  }
0x83: {  	_ =	shalt  }
0x84: {  	_ =	shalt  }
0x85: {  	_ =	shalt  }
0x86: {  	_ =	shalt  }
0x87: {  	_ =	shalt  }
.Lfunc_end0:
.L_simem_size_0:
called_computation.2_lowered:
.L_overlay_start_0:
0x88: {  	s2 =	sld [smem:$0x3FD9]  }
0x89: {  	s3 =	sld [smem:$0x3FFE];
	_ =	sdelay $0x1  }
0x8a: {  	s1 =	srdreg.scid  }
0x8b: {  	s0 =	sand.u32 $0x1, s1  }
0x8c: {  	s17 =	sshll.u32 s0, $0xA;
	s2 =	sadd.s32 s3, s2  }
0x8d: {  	s2 =	sadd.s32 s2, s17  }
0x8e: {  	[smem:$0x3FC3] =	sst s2  }
0x8f: {  	_ = 	snop  }
0x90: {  	s2 =	sld [smem:$0x3FD0];
	(tm) =	ssettm $0x1  }
0x91: {  	s18 =	sld [smem:$0x3FFB];
	_ =	sdelay $0x3  }
0x92: {  	_ =	strace s18  }
0x93: {  	s3 =	sld [smem:$0x3FFC];
	_ =	sdelay $0x3  }
0x94: {  	_ =	strace s3  }
0x95: {  	s3 =	sld [smem:$0x3FFD];
	_ =	sdelay $0x3  }
0x96: {  	_ =	strace s3  }
0x97: {  	_ =	strace $0x8FFFFFFF  }
0x98: {  	s19 =	sld [smem:$0x3FDB];
	_ =	sdelay $0x1  }
0x99: {  	s4 =	simm.s32 $_scs_section_size  }
0x9a: {  	s5 =	simm.s32 $_size__tile_overlayer_lowered;
	s6 =	simm.s32 $_tile_overlayer_lowered  }
0x9b: {  	s22 =	simm.s32 $0x1BFF;
	s21 =	sshll.u32 s6, $0x1;
	s3 =	sadd.s32 s4, s19  }
0x9c: {  	s7 =	simm.s32 $0x0;
	s20 =	sshll.u32 s5, $0x1;
	s5 =	sadd.s32 s21, s3  }
0x9d: {  	[timem:s7], [sflag:s22] =	dma.local [hbm:s5], s20  }
0x9e: {  	_ =	swait.ge [sflag:s22], s20  }
0x9f: {  	s4 =	ssub.s32 $0x0, s20;
	[sflag:s22] =	ssyncset.done $0x0  }
0xa0: {  	[sflag:s22] =	ssyncadd.s32 s4;
	_ =	sdelay $0x1  }
0xa1: {  	s23 =	simm.s32 $0x1B8B  }
0xa2: {  	_ =	swait.ge [sflag:s23], $0x1  }
0xa3: {  	[sflag:s23] =	ssyncset.done $0x0  }
0xa4: {  	s25 =	simm.s32 $0x1B8E;
	s24 =	sld [smem:$0x3FFE];
	[sflag:s23] =	ssyncadd.s32 $0xFFFFFFFF  }
0xa5: {  	s26 =	simm.s32 $execute0_lowered;
	[smem:$0x3FD2] =	sst s25  }
0xa6: {  	s5 =	sshll.u32 s26, $0x1;
	_ =	strace $0x8000004C;
	[dreg:$0x1] =	wrdreg $0xFFFFFFFF  }
0xa7: {  	s28 =	simm.s32 $_size_execute0_lowered;
	s3 =	sadd.s32 s3, s5;
	[dreg:$0x0] =	wrdreg $0x0  }
0xa8: {  	s5 =	sshll.u32 s28, $0x1;
	[dreg:$0x2] =	wrdreg s3  }
0xa9: {  	[dreg:$0x3] =	wrdreg s5  }
0xaa: {  	[dreg:$0x4] =	wrdreg $0xC0  }
0xab: {  	_ =	task [dreg:s7], $0x5FFFF  }
0xac: {  	[dreg:$0x1] =	wrdreg $0xFFFFFFFF  }
0xad: {  	[dreg:$0x0] =	wrdreg $0x60  }
0xae: {  	[dreg:$0x2] =	wrdreg s24  }
0xaf: {  	[dreg:$0x3] =	wrdreg s2  }
0xb0: {  	[dreg:$0x4] =	wrdreg $0x78000  }
0xb1: {  	[dreg:$0x5] =	wrdreg $0x9  }
0xb2: {  	_ =	task.clear_ibuf [dreg:s7], $0x6FFFF;
	_ =	strace $0x9000004C  }
0xb3: {  	s29 =	simm.s32 $0x9;
	_ =	strace $0x8000004E  }
0xb4: {  	_ =	swait.ge [sflag:s29], $0x1  }
0xb5: {  	[sflag:s29] =	ssyncadd.s32 $0xFFFFFFFF  }
0xb6: {  	_ =	strace $0x9000004E  }
0xb7: {  	_ =	sfence  }
0xb8: {  	s30 =	sld [smem:$0x0];
	_ =	sdelay $0x2  }
0xb9: {  	s31 =	sshll.u32 s1, $0xD;
	s1 =	sshrl.u32 s1, $0x2  }
0xba: {  	s3 =	sand.u32 $0x4000, s31;
	s1 =	sadd.s32 s1, s30  }
0xbb: {  	s0 =	sor.u32 s3, s0;
	s1 =	sshll.u32 s1, $0x11  }
0xbc: {  	s0 =	sor.u32 s1, s0  }
0xbd: {  	s0 =	sadd.s32 $0x8F2B, s0  }
0xbe: {  	[sflag:s0] =	ssyncadd.remote.s32 $0x1  }
0xbf: {  	_ =	sfence.sel $0xFFFF  }
0xc0: {  	[dreg:$0x0] =	wrdreg $0xFFFFFFFF;
	(pc) =	sbr.abs _section_cstart, $3  }
0xc1: {  	[dreg:$0x1] =	wrdreg $0xFFFFFFFF  }
0xc2: {  	_ =	task.clear_ibuf [dreg:s7], $0x2FFFF;
	_ =	strace $0x9FFFFFFF  }
0xc3: {  	(tm) =	ssettm $0x7FFFFFFF  }
tec
execute0_lowered:
.L_overlay_start_1:
0x0: {  	(tag) =	ssettag $0x1  }
0x1: {  	s6 =	rddreg [dreg:$0x0]  }
0x2: {  	s2 =	rddreg [dreg:$0x1]  }
0x3: {  	s3 =	rddreg [dreg:$0x2]  }
0x4: {  	s0 =	rddreg [dreg:$0x3]  }
0x5: {  	s5 =	srdreg.scid;
	s1 =	stileid.u32;
	s4 =	simm.s32 $0x0  }
0x6: {  	s16 =	simm.s32 $0x2700;
	s17 =	simm.s32 $0x80;
	s18 =	simm.s32 $0x7700  }
0x7: {  	s19 =	simm.s32 $0x7780;
	s20 =	simm.s32 $0x1;
	s21 =	simm.s32 $0x2  }
0x8: {  	s22 =	simm.s32 $0x0;
	s5 =	sand.u32 $0x1, s5;
	s7 =	smul.u32 $0x280, s1  }
0x9: {  	[smem:$0x7FF] =	sst s4;
	s10 =	sadd.s32 $0x2200, s6;
	s30 =	sshll.u32 s1, $0x6  }
0xa: {  	s31 =	sshll.u32 s1, $0x4;
	s8 =	smul.u32 $0x2800, s5;
	_ =	strace $0x8000004D  }
0xb: {  	s9 =	sshll.u32 s5, $0x4;
	s26 =	ssub.s32 $0x2, s5;
	s5 =	sadd.s32 $0x15C00, s6  }
0xc: {  	s13 =	sor.u32 s1, s9;
	s28 =	sshrl.u32 s26, $0x1;
	s15 =	sadd.s32 s7, s3  }
0xd: {  	s8 =	sadd.s32 s7, s8;
	s11 =	smul.u32 $0x2700, s13;
	s14 =	ssub.s32 s26, s28  }
0xe: {  	s7 =	sor.u32 $0x1C03, s30;
	p0 =	sgt.u32 s13, $0x3;
	s13 =	sshrl.u32 s15, $0x3  }
0xf: {  	s15 =	simm.s32 $0x4F00;
	s8 =	sshrl.u32 s8, $0x3;
	s29 =	sshrl.u32 s11, $0x3  }
0x10: {  	s12 =	sadd.s32 s8, s6;
	s6 =	sadd.s32 s10, s29;
	s10 =	sadd.s32 s31, s10  }
0x11: {  	s11 =	sadd.s32 $0x15E00, s12;
	s12 =	smax.u32 s14, $0x1;
	s14 =	simm.s32 $0x3  }
0x12: {  	s8 =	sadd.s32 $0x9C40, s6;
	s9 =	sadd.s32 $0x9C00, s10;
	s10 =	sadd.s32 $0x13840, s10  }
.LBB2_1:
0x13: {  	[spmem:s13], [sflag:s7] =	dma.local [hbm:s5], $0x50  }
0x14: {  	_ =	swait.ge [sflag:s14], $0x50  }
0x15: {  	[sflag:s14] =	ssyncset.done $0x0  }
0x16: {  	[sflag:s14] =	ssyncadd.s32 $0xFFFFFFB0  }
0x17: {  	[tilespmem:s15], [sflag:$0x3] =	stream.linear.gather [hbm4b:s2+s4], $0x2800, $0x38;
	[tilespmem:$0x7A80] =	vst v63  }
0x18: {  	_ =	swait.ge [sflag:s14], $0x2800  }
0x19: {  	[sflag:s14] =	ssyncset.done $0x0  }
0x1a: {  	[sflag:s14] =	ssyncadd.s32 $0xFFFFD800  }
0x1b: {  	[tilespmem:s4], [sflag:$0x3] =	stream.linear.gather [hbm4b:s6+s4], $0x2700, $0x38;
	[tilespmem:$0x7A80] =	vst v63  }
0x1c: {  	_ =	swait.ge [sflag:s14], $0x2700  }
0x1d: {  	[sflag:s14] =	ssyncset.done $0x0  }
0x1e: {  	[sflag:s14] =	ssyncadd.s32 $0xFFFFD900  }
0x1f: {  	[tilespmem:s16], [sflag:$0x3] =	stream.linear.gather [hbm4b:s8+s4], $0x2700, $0x38;
	[tilespmem:$0x7A80] =	vst v63  }
0x20: {  	_ =	swait.ge [sflag:s14], $0x2700  }
0x21: {  	[sflag:s14] =	ssyncset.done $0x0  }
0x22: {  	s23 =	simm.s32 @!p0 $0x0;
	s24 =	simm.s32 @!p0 $0x4E00;
	[sflag:s14] =	ssyncadd.s32 $0xFFFFD900  }
0x23: {  	[tilespmem:s24], [sflag:$0x3] =	stream.linear.gather @!p0 [hbm4b:s9+s23], $0x80, $0x38;
	[tilespmem:$0x7A80] =	vst v63  }
0x24: {  	s24 =	simm.s32 @!p0 $0x3  }
0x25: {  	_ =	swait.ge @!p0 [sflag:s24], $0x80  }
0x26: {  	[sflag:s24] =	ssyncset.done @!p0 $0x0  }
0x27: {  	s25 =	simm.s32 @!p0 $0x4E80;
	[sflag:s24] =	ssyncadd.s32 @!p0 $0xFFFFFF80  }
0x28: {  	[tilespmem:s25], [sflag:$0x3] =	stream.linear.gather @!p0 [hbm4b:s10+s23], $0x80, $0x38;
	[tilespmem:$0x7A80] =	vst v63  }
0x29: {  	_ =	swait.ge @!p0 [sflag:s24], $0x80  }
0x2a: {  	[sflag:s24] =	ssyncset.done @!p0 $0x0  }
0x2b: {  	[sflag:s24] =	ssyncadd.s32 @!p0 $0xFFFFFF80  }
0x2c: {  	s23 =	simm.s32 $0x0;
	[bflag:$0x0] =	sbarrier.arrive $0xFFFF  }
.LBB2_2:
0x2d: {  	s24 =	sshra.s32 s23, $0x2  }
0x2e: {  	v0 =	vld [tilespmem:s24+$0x2700];
	_ =	sdelay $0x7  }
0x2f: {  	v0 =	vld.idx.msk [tilespmem:v0+s15+$0x0], $0xffff;
	_ =	sdelay $0x4  }
0x30: {  	[tilespmem:$0x7700] =	vst v0  }
0x31: {  	v0 =	vld [tilespmem:s24+$0x2710];
	_ =	sdelay $0x7  }
0x32: {  	v0 =	vld.idx.msk [tilespmem:v0+s15+$0x0], $0xffff;
	_ =	sdelay $0x4  }
0x33: {  	[tilespmem:$0x7710] =	vst v0  }
0x34: {  	v0 =	vld [tilespmem:s24+$0x2720];
	_ =	sdelay $0x7  }
0x35: {  	v0 =	vld.idx.msk [tilespmem:v0+s15+$0x0], $0xffff;
	_ =	sdelay $0x4  }
0x36: {  	[tilespmem:$0x7720] =	vst v0  }
0x37: {  	v0 =	vld [tilespmem:s24+$0x2730];
	_ =	sdelay $0x7  }
0x38: {  	v0 =	vld.idx.msk [tilespmem:v0+s15+$0x0], $0xffff;
	_ =	sdelay $0x4  }
0x39: {  	[tilespmem:$0x7730] =	vst v0  }
0x3a: {  	v0 =	vld [tilespmem:s24+$0x2740];
	_ =	sdelay $0x7  }
0x3b: {  	v0 =	vld.idx.msk [tilespmem:v0+s15+$0x0], $0xffff;
	_ =	sdelay $0x4  }
0x3c: {  	[tilespmem:$0x7740] =	vst v0  }
0x3d: {  	v0 =	vld [tilespmem:s24+$0x2750];
	_ =	sdelay $0x7  }
0x3e: {  	v0 =	vld.idx.msk [tilespmem:v0+s15+$0x0], $0xffff;
	_ =	sdelay $0x4  }
0x3f: {  	[tilespmem:$0x7750] =	vst v0  }
0x40: {  	v0 =	vld [tilespmem:s24+$0x2760];
	_ =	sdelay $0x7  }
0x41: {  	v0 =	vld.idx.msk [tilespmem:v0+s15+$0x0], $0xffff;
	_ =	sdelay $0x4  }
0x42: {  	[tilespmem:$0x7760] =	vst v0  }
0x43: {  	v0 =	vld [tilespmem:s24+$0x2770];
	_ =	sdelay $0x7  }
0x44: {  	v0 =	vld.idx.msk [tilespmem:v0+s15+$0x0], $0xffff;
	_ =	sdelay $0x4  }
0x45: {  	[tilespmem:$0x7770] =	vst v0  }
0x46: {  	[spmem:s3] =	stream.indirect.scatter.add.f32 [tilespmem:s18], [sflag:$0x1], $0x1, s24, s17, $0xb8;
	[tilespmem:$0x7A80] =	vst v63  }
0x47: {  	v0 =	vld [tilespmem:s24+$0x2780];
	_ =	sdelay $0x7  }
0x48: {  	v0 =	vld.idx.msk [tilespmem:v0+s15+$0x0], $0xffff;
	_ =	sdelay $0x4  }
0x49: {  	[tilespmem:$0x7780] =	vst v0  }
0x4a: {  	v0 =	vld [tilespmem:s24+$0x2790];
	_ =	sdelay $0x7  }
0x4b: {  	v0 =	vld.idx.msk [tilespmem:v0+s15+$0x0], $0xffff;
	_ =	sdelay $0x4  }
0x4c: {  	[tilespmem:$0x7790] =	vst v0  }
0x4d: {  	v0 =	vld [tilespmem:s24+$0x27A0];
	_ =	sdelay $0x7  }
0x4e: {  	v0 =	vld.idx.msk [tilespmem:v0+s15+$0x0], $0xffff;
	_ =	sdelay $0x4  }
0x4f: {  	[tilespmem:$0x77A0] =	vst v0  }
0x50: {  	v0 =	vld [tilespmem:s24+$0x27B0];
	_ =	sdelay $0x7  }
0x51: {  	v0 =	vld.idx.msk [tilespmem:v0+s15+$0x0], $0xffff;
	_ =	sdelay $0x4  }
0x52: {  	[tilespmem:$0x77B0] =	vst v0  }
0x53: {  	v0 =	vld [tilespmem:s24+$0x27C0];
	_ =	sdelay $0x7  }
0x54: {  	v0 =	vld.idx.msk [tilespmem:v0+s15+$0x0], $0xffff;
	_ =	sdelay $0x4  }
0x55: {  	[tilespmem:$0x77C0] =	vst v0  }
0x56: {  	v0 =	vld [tilespmem:s24+$0x27D0];
	_ =	sdelay $0x7  }
0x57: {  	v0 =	vld.idx.msk [tilespmem:v0+s15+$0x0], $0xffff;
	_ =	sdelay $0x4  }
0x58: {  	[tilespmem:$0x77D0] =	vst v0  }
0x59: {  	v0 =	vld [tilespmem:s24+$0x27E0];
	_ =	sdelay $0x7  }
0x5a: {  	v0 =	vld.idx.msk [tilespmem:v0+s15+$0x0], $0xffff;
	_ =	sdelay $0x4  }
0x5b: {  	[tilespmem:$0x77E0] =	vst v0  }
0x5c: {  	v0 =	vld [tilespmem:s24+$0x27F0];
	_ =	sdelay $0x7  }
0x5d: {  	v0 =	vld.idx.msk [tilespmem:v0+s15+$0x0], $0xffff;
	_ =	sdelay $0x4  }
0x5e: {  	s24 =	sadd.s32 $0x80, s24;
	[tilespmem:$0x77F0] =	vst v0  }
0x5f: {  	[spmem:s3] =	stream.indirect.scatter.add.f32 [tilespmem:s19], [sflag:$0x2], $0x1, s24, s17, $0xb8;
	[tilespmem:$0x7A80] =	vst v63  }
0x60: {  	p1 =	sne.s32 s23, $0x9800;
	_ =	swait.ge [sflag:s20], $0x80  }
.Ltmp0:
0x61: {  	[sflag:s20] =	ssyncset.done $0x0;
	(pc) =	sbr.rel @p1 .LBB2_2-.Ltmp0, $4  }
0x62: {  	[sflag:s20] =	ssyncadd.s32 $0xFFFFFF80  }
0x63: {  	_ =	swait.ge [sflag:s21], $0x80  }
0x64: {  	[sflag:s21] =	ssyncset.done $0x0  }
0x65: {  	s23 =	sadd.s32 $0x400, s23;
	[sflag:s21] =	ssyncadd.s32 $0xFFFFFF80  }
0x66: {  	v0 =	vld @!p0 [tilespmem:$0x4E80];
	_ =	sdelay $0x5  }
0x67: {  	v1 =	vld @!p0 [tilespmem:$0x4E90]  }
0x68: {  	s23 =	simm.s32 @!p0 $0x4F00  }
0x69: {  	v0 =	vld.idx.msk @!p0 [tilespmem:v0+s23+$0x0], $0xffff;
	_ =	sdelay $0x3  }
0x6a: {  	v2 =	vld @!p0 [tilespmem:$0x4EA0]  }
0x6b: {  	[tilespmem:$0x7700] =	vst @!p0 v0  }
0x6c: {  	v0 =	vld.idx.msk @!p0 [tilespmem:v1+s23+$0x0], $0xffff;
	_ =	sdelay $0x3  }
0x6d: {  	v1 =	vld @!p0 [tilespmem:$0x4EB0]  }
0x6e: {  	[tilespmem:$0x7710] =	vst @!p0 v0  }
0x6f: {  	v0 =	vld.idx.msk @!p0 [tilespmem:v2+s23+$0x0], $0xffff;
	_ =	sdelay $0x3  }
0x70: {  	v2 =	vld @!p0 [tilespmem:$0x4EC0]  }
0x71: {  	[tilespmem:$0x7720] =	vst @!p0 v0  }
0x72: {  	v0 =	vld.idx.msk @!p0 [tilespmem:v1+s23+$0x0], $0xffff;
	_ =	sdelay $0x3  }
0x73: {  	v1 =	vld @!p0 [tilespmem:$0x4ED0]  }
0x74: {  	[tilespmem:$0x7730] =	vst @!p0 v0  }
0x75: {  	v0 =	vld.idx.msk @!p0 [tilespmem:v2+s23+$0x0], $0xffff;
	_ =	sdelay $0x3  }
0x76: {  	v2 =	vld @!p0 [tilespmem:$0x4EE0]  }
0x77: {  	[tilespmem:$0x7740] =	vst @!p0 v0  }
0x78: {  	v0 =	vld.idx.msk @!p0 [tilespmem:v1+s23+$0x0], $0xffff;
	_ =	sdelay $0x3  }
0x79: {  	v1 =	vld @!p0 [tilespmem:$0x4EF0]  }
0x7a: {  	[tilespmem:$0x7750] =	vst @!p0 v0  }
0x7b: {  	v0 =	vld.idx.msk @!p0 [tilespmem:v2+s23+$0x0], $0xffff;
	_ =	sdelay $0x4  }
0x7c: {  	[tilespmem:$0x7760] =	vst @!p0 v0  }
0x7d: {  	v0 =	vld.idx.msk @!p0 [tilespmem:v1+s23+$0x0], $0xffff;
	_ =	sdelay $0x4  }
0x7e: {  	s24 =	simm.s32 @!p0 $0x4E00;
	s25 =	simm.s32 @!p0 $0x7700;
	s23 =	simm.s32 @!p0 $0x80;
	[tilespmem:$0x7770] =	vst @!p0 v0  }
0x7f: {  	[spmem:s3] =	stream.indirect.scatter.add.f32 @!p0 [tilespmem:s25], [sflag:$0x1], $0x1, s24, s23, $0xb8;
	[tilespmem:$0x7A80] =	vst v63  }
0x80: {  	s23 =	simm.s32 @!p0 $0x1  }
0x81: {  	_ =	swait.ge @!p0 [sflag:s23], $0x80  }
0x82: {  	s22 =	sadd.s32 $0x1, s22;
	[sflag:s23] =	ssyncset.done @!p0 $0x0  }
0x83: {  	p1 =	sne.s32 s22, s12;
	[sflag:s23] =	ssyncadd.s32 @!p0 $0xFFFFFF80  }
.Ltmp1:
0x84: {  	[bflag:$0x0] =	sbarrier.arrive $0xFFFF;
	(pc) =	sbr.rel @p1 .LBB2_1-.Ltmp1, $4  }
0x85: {  	[hbm:s11], [sflag:s7] =	dma.local [spmem:s13], $0x50  }
0x86: {  	_ =	swait.ge [sflag:s14], $0x50  }
0x87: {  	[sflag:s14] =	ssyncset.done $0x0  }
0x88: {  	[sflag:s14] =	ssyncadd.s32 $0xFFFFFFB0  }
0x89: {  	_ =	sfence.sel $0x180000  }
0x8a: {  	[bflag:$0x0] =	sbarrier.arrive $0xFFFF  }
0x8b: {  	p0 =	sne.s32 s1, $0x0;
	_ =	strace $0x9000004D  }
0x8c: {  	s0 =	sadd.s32 @!p0 $0x100000, s0;
	[bflag:$0x2] =	sbarrier.arrive $0xFFFF  }
0x8d: {  	[sflag:s0] =	ssyncadd.tile.s32 @!p0 $0x1;
	_ =	shalt  }
.Lfunc_end2:
_tile_overlayer_lowered:
.L_overlay_start_2:
0x8e: {  	(tag) =	ssettag $0x2  }
0x8f: {  	s0 =	rddreg [dreg:$0x0];
	s2 =	stileid.u32  }
0x90: {  	s1 =	rddreg [dreg:$0x1];
	p0 =	sne.s32 s2, $0x0  }
0x91: {  	s3 =	rddreg [dreg:$0x2];
	[bflag:$0x3] =	sbarrier.arrive $0xFFFF;
	s2 =	simm.s32 @!p0 $0x1C03  }
0x92: {  	[timem:s3], [sflag:s2] =	dma.local @!p0 [hbm:s0], s1  }
0x93: {  	s0 =	simm.s32 @!p0 $0x3  }
0x94: {  	_ =	swait.ge @!p0 [sflag:s0], s1  }
0x95: {  	s1 =	ssub.s32 @!p0 $0x0, s1;
	[sflag:s0] =	ssyncset.done @!p0 $0x0  }
0x96: {  	[sflag:s0] =	ssyncadd.s32 @!p0 s1  }
0x97: {  	[bflag:$0x3] =	sbarrier.arrive $0xFFFF  }
0x98: {  	_ =	shalt  }

// kernel: kernel.8.cloned.1.call-start
scs
__scs_entry_jumppad:
0x0: {  	(pc) =	sbr.rel $0x88, $3  }
0x1: {  	(tag) =	ssettag $0x0;
	lr =	simm.s32 $0x1  }
0x2: {  	[smem:$0x3F9C] =	sst lr;
	_ =	strace $0xD0000000  }
0x3: {  	_ = 	snop  }
0x4: {  	_ = 	snop  }
0x5: {  	_ = 	snop  }
0x6: {  	_ = 	snop  }
0x7: {  	_ = 	snop  }
__scs_overlays_trampoline_lowered:
0x8: {  	[smem:$0x3FAB] =	sst s0  }
0x9: {  	[smem:$0x3FAC] =	sst s1  }
0xa: {  	[smem:$0x3FAD] =	sst s2  }
0xb: {  	[smem:$0x3FAE] =	sst s3  }
0xc: {  	[smem:$0x3FAF] =	sst s4  }
0xd: {  	[smem:$0x3FB0] =	sst s5  }
0xe: {  	[smem:$0x3FB1] =	sst s6  }
0xf: {  	[smem:$0x3FB2] =	sst s7  }
0x10: {  	[smem:$0x3FB3] =	sst s8  }
0x11: {  	[smem:$0x3FB4] =	sst s9;
	s0 =	simm.s32 @!p0 $0x0  }
0x12: {  	s1 =	sld [smem:$0x3F9A];
	s0 =	simm.s32 @p0 $0x1  }
0x13: {  	[smem:$0x3FB5] =	sst s0;
	s0 =	simm.s32 @!p1 $0x0  }
0x14: {  	s2 =	sld [smem:$0x3F99];
	s0 =	simm.s32 @p1 $0x1  }
0x15: {  	[smem:$0x3FB6] =	sst s0;
	s0 =	simm.s32 @!p2 $0x0  }
0x16: {  	s3 =	sld [smem:$0x3FDB];
	s0 =	simm.s32 @p2 $0x1  }
0x17: {  	s4 =	simm.s32 $0x1BF5;
	[smem:$0x3FB8] =	sst s0  }
0x18: {  	s0 =	sld [smem:$0x3F9B];
	_ =	swait.ge [sflag:s4], $0x0  }
0x19: {  	s7 =	sld [smem:$0x3F9C]  }
0x1a: {  	s8 =	sadd.s32 $0xFFFFE003, lr  }
0x1b: {  	s9 =	sadd.s32 $0xFFFFFEF7, lr;
	s5 =	simm.s32 $0xFFFFFFFF;
	p2 =	slt.u32 s8, $0xFFFFF086  }
0x1c: {  	p1 =	slt.u32 s9, $0xF7A;
	s5 =	simm.s32 @!p2 $0x0  }
0x1d: {  	s5 =	simm.s32 @p1 $0x1;
	p0 =	seq.s32 s7, s2  }
0x1e: {  	s7 =	smul.u32 @!p0 $0xF7A, s2;
	p2 =	seq.s32 @!p0 s5, $0x0  }
0x1f: {  	s9 =	smul.u32 $0xF7A, s1;
	s8 =	simm.s32 @!p0 $0x1BF5;
	p2 =	por !p2, p0  }
0x20: {  	[sflag:s8] =	ssyncset.s32 @!p0 $0xFFFFF086;
	s6 =	sadd.s32 @!p0 s3, s7;
	s7 =	simm.s32 @!p0 $0x108  }
0x21: {  	s3 =	sadd.s32 s3, s9;
	s6 =	sadd.s32 @!p0 $0x88, s6;
	s7 =	simm.s32 @p2 $0x1082  }
0x22: {  	[simem:s7], [sflag:s8] =	dma.local @!p0 [hbm:s6], $0xF7A  }
0x23: {  	s9 =	sor.u32 $0xD0000000, s2;
	s6 =	simm.s32 $0x108;
	_ =	swait.ge @!p0 [sflag:s8], $0x0  }
0x24: {  	s3 =	sadd.s32 $0x88, s3;
	s6 =	simm.s32 @!p1 $0x1082;
	[sflag:s4] =	ssyncset.s32 $0xFFFFF086  }
0x25: {  	[simem:s6], [sflag:s4] =	dma.local [hbm:s3], $0xF7A  }
0x26: {  	[smem:$0x3F9C] =	sst s1;
	(tag) =	ssettag s2;
	_ =	strace s9  }
0x27: {  	s1 =	sld [smem:$0x3FAC]  }
0x28: {  	s2 =	sld [smem:$0x3FAD]  }
0x29: {  	s4 =	sld [smem:$0x3FAF]  }
0x2a: {  	p0 =	seq.s32 s5, $0x0;
	s5 =	sld [smem:$0x3FB0]  }
0x2b: {  	s6 =	sld [smem:$0x3FB1]  }
0x2c: {  	s7 =	sld [smem:$0x3FB2]  }
0x2d: {  	s3 =	simm.s32 $0x108;
	s8 =	sld [smem:$0x3FB3]  }
0x2e: {  	s3 =	simm.s32 @!p0 $0x1082;
	s9 =	sld [smem:$0x3FB4]  }
0x2f: {  	lr =	sadd.s32 s0, s3;
	s0 =	sld [smem:$0x3FAB]  }
0x30: {  	s3 =	sld [smem:$0x3FAE]  }
0x31: {  	[smem:$0x3FB7] =	sst s10  }
0x32: {  	s10 =	sld [smem:$0x3FB5];
	_ =	sdelay $0x3  }
0x33: {  	p0 =	seq.s32 s10, $0x1;
	s10 =	sld [smem:$0x3FB7];
	_ =	sdelay $0x3  }
0x34: {  	[smem:$0x3FB7] =	sst s10  }
0x35: {  	s10 =	sld [smem:$0x3FB6];
	_ =	sdelay $0x3  }
0x36: {  	p1 =	seq.s32 s10, $0x1;
	s10 =	sld [smem:$0x3FB7];
	_ =	sdelay $0x3  }
0x37: {  	[smem:$0x3FB7] =	sst s10  }
0x38: {  	s10 =	sld [smem:$0x3FB8]  }
0x39: {  	_ = 	snop;
	(pc) =	sbr.ind lr, $3  }
0x3a: {  	_ = 	snop  }
0x3b: {  	_ = 	snop  }
0x3c: {  	p2 =	seq.s32 s10, $0x1;
	s10 =	sld [smem:$0x3FB7]  }
0x3d: {  	_ =	shalt  }
0x3e: {  	_ =	shalt  }
0x3f: {  	_ =	shalt  }
0x40: {  	_ =	shalt  }
0x41: {  	_ =	shalt  }
0x42: {  	_ =	shalt  }
0x43: {  	_ =	shalt  }
0x44: {  	_ =	shalt  }
0x45: {  	_ =	shalt  }
0x46: {  	_ =	shalt  }
0x47: {  	_ =	shalt  }
0x48: {  	_ =	shalt  }
0x49: {  	_ =	shalt  }
0x4a: {  	_ =	shalt  }
0x4b: {  	_ =	shalt  }
0x4c: {  	_ =	shalt  }
0x4d: {  	_ =	shalt  }
0x4e: {  	_ =	shalt  }
0x4f: {  	_ =	shalt  }
0x50: {  	_ =	shalt  }
0x51: {  	_ =	shalt  }
0x52: {  	_ =	shalt  }
0x53: {  	_ =	shalt  }
0x54: {  	_ =	shalt  }
0x55: {  	_ =	shalt  }
0x56: {  	_ =	shalt  }
0x57: {  	_ =	shalt  }
0x58: {  	_ =	shalt  }
0x59: {  	_ =	shalt  }
0x5a: {  	_ =	shalt  }
0x5b: {  	_ =	shalt  }
0x5c: {  	_ =	shalt  }
0x5d: {  	_ =	shalt  }
0x5e: {  	_ =	shalt  }
0x5f: {  	_ =	shalt  }
0x60: {  	_ =	shalt  }
0x61: {  	_ =	shalt  }
0x62: {  	_ =	shalt  }
0x63: {  	_ =	shalt  }
0x64: {  	_ =	shalt  }
0x65: {  	_ =	shalt  }
0x66: {  	_ =	shalt  }
0x67: {  	_ =	shalt  }
0x68: {  	_ =	shalt  }
0x69: {  	_ =	shalt  }
0x6a: {  	_ =	shalt  }
0x6b: {  	_ =	shalt  }
0x6c: {  	_ =	shalt  }
0x6d: {  	_ =	shalt  }
0x6e: {  	_ =	shalt  }
0x6f: {  	_ =	shalt  }
0x70: {  	_ =	shalt  }
0x71: {  	_ =	shalt  }
0x72: {  	_ =	shalt  }
0x73: {  	_ =	shalt  }
0x74: {  	_ =	shalt  }
0x75: {  	_ =	shalt  }
0x76: {  	_ =	shalt  }
0x77: {  	_ =	shalt  }
0x78: {  	_ =	shalt  }
0x79: {  	_ =	shalt  }
0x7a: {  	_ =	shalt  }
0x7b: {  	_ =	shalt  }
0x7c: {  	_ =	shalt  }
0x7d: {  	_ =	shalt  }
0x7e: {  	_ =	shalt  }
0x7f: {  	_ =	shalt  }
0x80: {  	_ =	shalt  }
0x81: {  	_ =	shalt  }
0x82: {  	_ =	shalt  }
0x83: {  	_ =	shalt  }
0x84: {  	_ =	shalt  }
0x85: {  	_ =	shalt  }
0x86: {  	_ =	shalt  }
0x87: {  	_ =	shalt  }
.Lfunc_end0:
.L_simem_size_0:
called_computation_lowered:
.L_overlay_start_0:
0x88: {  	s2 =	sld [smem:$0x3FD9]  }
0x89: {  	s3 =	sld [smem:$0x3FFE];
	_ =	sdelay $0x1  }
0x8a: {  	s1 =	srdreg.scid  }
0x8b: {  	s0 =	sand.u32 $0x1, s1  }
0x8c: {  	s17 =	sshll.u32 s0, $0xA;
	s2 =	sadd.s32 s3, s2  }
0x8d: {  	s2 =	sadd.s32 s2, s17  }
0x8e: {  	[smem:$0x3FC3] =	sst s2  }
0x8f: {  	_ = 	snop  }
0x90: {  	s2 =	sld [smem:$0x3FD0];
	(tm) =	ssettm $0x1  }
0x91: {  	s18 =	sld [smem:$0x3FFB];
	_ =	sdelay $0x3  }
0x92: {  	_ =	strace s18  }
0x93: {  	s3 =	sld [smem:$0x3FFC];
	_ =	sdelay $0x3  }
0x94: {  	_ =	strace s3  }
0x95: {  	s3 =	sld [smem:$0x3FFD];
	_ =	sdelay $0x3  }
0x96: {  	_ =	strace s3  }
0x97: {  	_ =	strace $0x8FFFFFFF  }
0x98: {  	s19 =	sld [smem:$0x3FDB];
	_ =	sdelay $0x1  }
0x99: {  	s4 =	simm.s32 $_scs_section_size  }
0x9a: {  	s5 =	simm.s32 $_size__tile_overlayer_lowered;
	s6 =	simm.s32 $_tile_overlayer_lowered  }
0x9b: {  	s22 =	simm.s32 $0x1BFF;
	s21 =	sshll.u32 s6, $0x1;
	s3 =	sadd.s32 s4, s19  }
0x9c: {  	s7 =	simm.s32 $0x0;
	s20 =	sshll.u32 s5, $0x1;
	s5 =	sadd.s32 s21, s3  }
0x9d: {  	[timem:s7], [sflag:s22] =	dma.local [hbm:s5], s20  }
0x9e: {  	_ =	swait.ge [sflag:s22], s20  }
0x9f: {  	s4 =	ssub.s32 $0x0, s20;
	[sflag:s22] =	ssyncset.done $0x0  }
0xa0: {  	[sflag:s22] =	ssyncadd.s32 s4;
	_ =	sdelay $0x1  }
0xa1: {  	s23 =	simm.s32 $0x1B8B  }
0xa2: {  	_ =	swait.ge [sflag:s23], $0x1  }
0xa3: {  	[sflag:s23] =	ssyncset.done $0x0  }
0xa4: {  	s25 =	simm.s32 $0x1B8E;
	s24 =	sld [smem:$0x3FFE];
	[sflag:s23] =	ssyncadd.s32 $0xFFFFFFFF  }
0xa5: {  	s26 =	simm.s32 $execute0_lowered;
	[smem:$0x3FD2] =	sst s25  }
0xa6: {  	s5 =	sshll.u32 s26, $0x1;
	_ =	strace $0x80000046;
	[dreg:$0x1] =	wrdreg $0xFFFFFFFF  }
0xa7: {  	s28 =	simm.s32 $_size_execute0_lowered;
	s3 =	sadd.s32 s3, s5;
	[dreg:$0x0] =	wrdreg $0x0  }
0xa8: {  	s5 =	sshll.u32 s28, $0x1;
	[dreg:$0x2] =	wrdreg s3  }
0xa9: {  	[dreg:$0x3] =	wrdreg s5  }
0xaa: {  	[dreg:$0x4] =	wrdreg $0xC0  }
0xab: {  	_ =	task [dreg:s7], $0x5FFFF  }
0xac: {  	[dreg:$0x1] =	wrdreg $0xFFFFFFFF  }
0xad: {  	[dreg:$0x0] =	wrdreg $0x60  }
0xae: {  	[dreg:$0x2] =	wrdreg s24  }
0xaf: {  	[dreg:$0x3] =	wrdreg s2  }
0xb0: {  	[dreg:$0x4] =	wrdreg $0x28000  }
0xb1: {  	[dreg:$0x5] =	wrdreg $0x9  }
0xb2: {  	_ =	task.clear_ibuf [dreg:s7], $0x6FFFF;
	_ =	strace $0x90000046  }
0xb3: {  	s29 =	simm.s32 $0x9;
	_ =	strace $0x80000048  }
0xb4: {  	_ =	swait.ge [sflag:s29], $0x1  }
0xb5: {  	[sflag:s29] =	ssyncadd.s32 $0xFFFFFFFF  }
0xb6: {  	_ =	strace $0x90000048  }
0xb7: {  	_ =	sfence  }
0xb8: {  	s30 =	sld [smem:$0x0];
	_ =	sdelay $0x2  }
0xb9: {  	s31 =	sshll.u32 s1, $0xD;
	s1 =	sshrl.u32 s1, $0x2  }
0xba: {  	s3 =	sand.u32 $0x4000, s31;
	s1 =	sadd.s32 s1, s30  }
0xbb: {  	s0 =	sor.u32 s3, s0;
	s1 =	sshll.u32 s1, $0x11  }
0xbc: {  	s0 =	sor.u32 s1, s0  }
0xbd: {  	s0 =	sadd.s32 $0x8F2B, s0  }
0xbe: {  	[sflag:s0] =	ssyncadd.remote.s32 $0x1  }
0xbf: {  	_ =	sfence.sel $0xFFFF  }
0xc0: {  	[dreg:$0x0] =	wrdreg $0xFFFFFFFF;
	(pc) =	sbr.abs _section_cstart, $3  }
0xc1: {  	[dreg:$0x1] =	wrdreg $0xFFFFFFFF  }
0xc2: {  	_ =	task.clear_ibuf [dreg:s7], $0x2FFFF;
	_ =	strace $0x9FFFFFFF  }
0xc3: {  	(tm) =	ssettm $0x7FFFFFFF  }
tec
execute0_lowered:
.L_overlay_start_1:
0x0: {  	(tag) =	ssettag $0x1  }
0x1: {  	s6 =	rddreg [dreg:$0x0]  }
0x2: {  	s2 =	rddreg [dreg:$0x1]  }
0x3: {  	s3 =	rddreg [dreg:$0x2]  }
0x4: {  	s0 =	rddreg [dreg:$0x3]  }
0x5: {  	s5 =	srdreg.scid;
	s1 =	stileid.u32;
	s4 =	simm.s32 $0x0  }
0x6: {  	s15 =	simm.s32 $0x1;
	s16 =	simm.s32 $0x2;
	s17 =	simm.s32 $0x0  }
0x7: {  	s7 =	sand.u32 $0x1, s5;
	s8 =	smul.u32 $0x280, s1;
	[smem:$0x7FF] =	sst s4  }
0x8: {  	s10 =	sadd.s32 $0x2200, s6;
	s5 =	sadd.s32 $0x15C00, s6;
	s30 =	sshll.u32 s1, $0x6  }
0x9: {  	s13 =	sshll.u32 s1, $0x4;
	s9 =	smul.u32 $0x2800, s7;
	_ =	strace $0x80000047  }
0xa: {  	s11 =	ssub.s32 $0x2, s7;
	s7 =	sshll.u32 s7, $0x4;
	s31 =	sadd.s32 s13, s10  }
0xb: {  	s13 =	simm.s32 $0x2780;
	s12 =	sshrl.u32 s11, $0x1;
	s29 =	sor.u32 s1, s7  }
0xc: {  	s14 =	sadd.s32 s8, s3;
	s9 =	sadd.s32 s8, s9;
	s11 =	ssub.s32 s11, s12  }
0xd: {  	s7 =	smul.u32 $0x4E0, s29;
	s8 =	sadd.s32 $0x9C00, s31;
	s9 =	sshrl.u32 s9, $0x3  }
0xe: {  	p0 =	sgt.u32 s29, $0x3;
	s12 =	simm.s32 $0x3;
	s9 =	sadd.s32 s9, s6  }
0xf: {  	s6 =	sor.u32 $0x1C03, s30;
	s7 =	sadd.s32 s10, s7;
	s10 =	smax.u32 s11, $0x1  }
0x10: {  	s11 =	sshrl.u32 s14, $0x3;
	s14 =	simm.s32 $0x80;
	s9 =	sadd.s32 $0x15E00, s9  }
.LBB2_1:
0x11: {  	[spmem:s11], [sflag:s6] =	dma.local [hbm:s5], $0x50  }
0x12: {  	_ =	swait.ge [sflag:s12], $0x50  }
0x13: {  	[sflag:s12] =	ssyncset.done $0x0  }
0x14: {  	[sflag:s12] =	ssyncadd.s32 $0xFFFFFFB0  }
0x15: {  	[tilespmem:s13], [sflag:$0x3] =	stream.linear.gather [hbm4b:s2+s4], $0x80, $0x38;
	[tilespmem:$0x2A80] =	vst v63  }
0x16: {  	_ =	swait.ge [sflag:s12], $0x80  }
0x17: {  	[sflag:s12] =	ssyncset.done $0x0  }
0x18: {  	[sflag:s12] =	ssyncadd.s32 $0xFFFFFF80  }
0x19: {  	[tilespmem:s4], [sflag:$0x3] =	stream.linear.gather [hbm4b:s7+s4], $0x2700, $0x38;
	[tilespmem:$0x2A80] =	vst v63  }
0x1a: {  	_ =	swait.ge [sflag:s12], $0x2700  }
0x1b: {  	[sflag:s12] =	ssyncset.done $0x0  }
0x1c: {  	s18 =	simm.s32 @!p0 $0x0;
	s19 =	simm.s32 @!p0 $0x2700;
	[sflag:s12] =	ssyncadd.s32 $0xFFFFD900  }
0x1d: {  	[tilespmem:s19], [sflag:$0x3] =	stream.linear.gather @!p0 [hbm4b:s8+s18], $0x80, $0x38;
	[tilespmem:$0x2A80] =	vst v63  }
0x1e: {  	s18 =	simm.s32 @!p0 $0x3  }
0x1f: {  	_ =	swait.ge @!p0 [sflag:s18], $0x80  }
0x20: {  	[sflag:s18] =	ssyncset.done @!p0 $0x0  }
0x21: {  	[sflag:s18] =	ssyncadd.s32 @!p0 $0xFFFFFF80  }
0x22: {  	s30 =	simm.s32 $0x0;
	[bflag:$0x0] =	sbarrier.arrive $0xFFFF  }
0x23: {  	[spmem:s3] =	stream.indirect.scatter.add.f32 [tilespmem:s13], [sflag:$0x1], $0x1, s30, s14, $0xb8;
	[tilespmem:$0x2A80] =	vst v63  }
0x24: {  	s31 =	simm.s32 $0x80  }
0x25: {  	[spmem:s3] =	stream.indirect.scatter.add.f32 [tilespmem:s13], [sflag:$0x2], $0x1, s31, s14, $0xb8;
	[tilespmem:$0x2A80] =	vst v63  }
0x26: {  	_ =	swait.ge [sflag:s15], $0x80  }
0x27: {  	[sflag:s15] =	ssyncset.done $0x0  }
0x28: {  	[sflag:s15] =	ssyncadd.s32 $0xFFFFFF80  }
0x29: {  	_ =	swait.ge [sflag:s16], $0x80  }
0x2a: {  	s19 =	simm.s32 $0x800;
	s18 =	simm.s32 $0x400;
	[sflag:s16] =	ssyncset.done $0x0  }
.LBB2_2:
0x2b: {  	s20 =	sshra.s32 s18, $0x2  }
0x2c: {  	[sflag:s16] =	ssyncadd.s32 $0xFFFFFF80;
	s18 =	smov.u32 s19;
	s21 =	sadd.s32 $0x400, s19  }
0x2d: {  	[spmem:s3] =	stream.indirect.scatter.add.f32 [tilespmem:s13], [sflag:$0x1], $0x1, s20, s14, $0xb8;
	[tilespmem:$0x2A80] =	vst v63  }
0x2e: {  	p1 =	sne.s32 s19, $0x9800;
	s19 =	sadd.s32 $0x80, s20  }
0x2f: {  	[spmem:s3] =	stream.indirect.scatter.add.f32 [tilespmem:s13], [sflag:$0x2], $0x1, s19, s14, $0xb8;
	[tilespmem:$0x2A80] =	vst v63  }
.Ltmp0:
0x30: {  	_ =	swait.ge [sflag:s15], $0x80;
	(pc) =	sbr.rel @p1 .LBB2_2-.Ltmp0, $4  }
0x31: {  	[sflag:s15] =	ssyncset.done $0x0  }
0x32: {  	[sflag:s15] =	ssyncadd.s32 $0xFFFFFF80  }
0x33: {  	_ =	swait.ge [sflag:s16], $0x80  }
0x34: {  	s19 =	smov.u32 s21;
	[sflag:s16] =	ssyncset.done $0x0  }
0x35: {  	s18 =	sshra.s32 s18, $0x2;
	[sflag:s16] =	ssyncadd.s32 $0xFFFFFF80  }
0x36: {  	[spmem:s3] =	stream.indirect.scatter.add.f32 [tilespmem:s13], [sflag:$0x1], $0x1, s18, s14, $0xb8;
	[tilespmem:$0x2A80] =	vst v63  }
0x37: {  	s18 =	sadd.s32 $0x80, s18  }
0x38: {  	[spmem:s3] =	stream.indirect.scatter.add.f32 [tilespmem:s13], [sflag:$0x2], $0x1, s18, s14, $0xb8;
	[tilespmem:$0x2A80] =	vst v63  }
0x39: {  	_ =	swait.ge [sflag:s15], $0x80  }
0x3a: {  	[sflag:s15] =	ssyncset.done $0x0  }
0x3b: {  	[sflag:s15] =	ssyncadd.s32 $0xFFFFFF80  }
0x3c: {  	_ =	swait.ge [sflag:s16], $0x80  }
0x3d: {  	s19 =	simm.s32 @!p0 $0x2700;
	[sflag:s16] =	ssyncset.done $0x0  }
0x3e: {  	s20 =	simm.s32 @!p0 $0x2780;
	s18 =	simm.s32 @!p0 $0x80;
	[sflag:s16] =	ssyncadd.s32 $0xFFFFFF80  }
0x3f: {  	[spmem:s3] =	stream.indirect.scatter.add.f32 @!p0 [tilespmem:s20], [sflag:$0x1], $0x1, s19, s18, $0xb8;
	[tilespmem:$0x2A80] =	vst v63  }
0x40: {  	s18 =	simm.s32 @!p0 $0x1  }
0x41: {  	_ =	swait.ge @!p0 [sflag:s18], $0x80  }
0x42: {  	s17 =	sadd.s32 $0x1, s17;
	[sflag:s18] =	ssyncset.done @!p0 $0x0  }
0x43: {  	p1 =	sne.s32 s17, s10;
	[sflag:s18] =	ssyncadd.s32 @!p0 $0xFFFFFF80  }
.Ltmp1:
0x44: {  	[bflag:$0x0] =	sbarrier.arrive $0xFFFF;
	(pc) =	sbr.rel @p1 .LBB2_1-.Ltmp1, $4  }
0x45: {  	[hbm:s9], [sflag:s6] =	dma.local [spmem:s11], $0x50  }
0x46: {  	_ =	swait.ge [sflag:s12], $0x50  }
0x47: {  	[sflag:s12] =	ssyncset.done $0x0  }
0x48: {  	[sflag:s12] =	ssyncadd.s32 $0xFFFFFFB0  }
0x49: {  	_ =	sfence.sel $0x180000  }
0x4a: {  	[bflag:$0x0] =	sbarrier.arrive $0xFFFF  }
0x4b: {  	p0 =	sne.s32 s1, $0x0;
	_ =	strace $0x90000047  }
0x4c: {  	s0 =	sadd.s32 @!p0 $0x100000, s0;
	[bflag:$0x2] =	sbarrier.arrive $0xFFFF  }
0x4d: {  	[sflag:s0] =	ssyncadd.tile.s32 @!p0 $0x1;
	_ =	shalt  }
.Lfunc_end2:
_tile_overlayer_lowered:
.L_overlay_start_2:
0x4e: {  	(tag) =	ssettag $0x2  }
0x4f: {  	s0 =	rddreg [dreg:$0x0];
	s2 =	stileid.u32  }
0x50: {  	s1 =	rddreg [dreg:$0x1];
	p0 =	sne.s32 s2, $0x0  }
0x51: {  	s3 =	rddreg [dreg:$0x2];
	[bflag:$0x3] =	sbarrier.arrive $0xFFFF;
	s2 =	simm.s32 @!p0 $0x1C03  }
0x52: {  	[timem:s3], [sflag:s2] =	dma.local @!p0 [hbm:s0], s1  }
0x53: {  	s0 =	simm.s32 @!p0 $0x3  }
0x54: {  	_ =	swait.ge @!p0 [sflag:s0], s1  }
0x55: {  	s1 =	ssub.s32 @!p0 $0x0, s1;
	[sflag:s0] =	ssyncset.done @!p0 $0x0  }
0x56: {  	[sflag:s0] =	ssyncadd.s32 @!p0 s1  }
0x57: {  	[bflag:$0x3] =	sbarrier.arrive $0xFFFF  }
0x58: {  	_ =	shalt  }

</sc_bundles>
